<compile_context>
chip_gen: v7x
topology: tpu7x:2x2x1
jax: 0.10.2.dev20260603
libtpu: 0.0.44.dev20260713+nightly
codegen_flags: <defaults>
</compile_context>

<pallas_src>
import functools

import jax
import jax.numpy as jnp
from jax import lax
from jax.experimental import pallas as pl
from jax.experimental.pallas import tpu as pltpu
from jax.experimental.pallas import tpu_sc as plsc

N = 10000
D = 128
E = 320000
NC = 2
NS = 16
NW = NC * NS
EW = E // NW
C = 128
K = 80
KH = K // 2
EW_PAD = K * C
RPW = 632
ACC_ROWS = NS * RPW
TRASH = N
BM = 2000
GRID = N // BM


def _leaky(v):
    return jnp.where(v > 0, v, 0.01 * v)


def _segment_sum_sc(x, src_r, dst_r, zeros):
    mesh = plsc.VectorSubcoreMesh(
        core_axis_name="c", subcore_axis_name="s", num_cores=NC, num_subcores=NS
    )

    @functools.partial(
        pl.kernel,
        out_type=jax.ShapeDtypeStruct((2 * ACC_ROWS, D), jnp.float32),
        mesh=mesh,
        scratch_types=[
            pltpu.VMEM((KH, C), jnp.int32),
            pltpu.VMEM((KH, C), jnp.int32),
            pltpu.VMEM((C, D), jnp.float32),
            pltpu.VMEM((C, D), jnp.float32),
            pltpu.VMEM_SHARED((ACC_ROWS, D), jnp.float32),
            pltpu.SemaphoreType.DMA,
            pltpu.SemaphoreType.DMA,
            pltpu.SemaphoreType.DMA,
        ],
    )
    def segsum(x_hbm, src_hbm, dst_hbm, z_hbm, out_hbm,
               idx_s, idx_d, r0, r1, acc, g0, g1, zs):
        cid = lax.axis_index("c")
        sid = lax.axis_index("s")
        wid = cid * NS + sid

        rs = (r0, r1)
        gs = (g0, g1)

        def gather(j, b):
            pltpu.async_copy(x_hbm.at[idx_s.at[j]], rs[b], gs[b])

        def gather_wait(b):
            pltpu.make_async_copy(x_hbm.at[pl.ds(0, C)], rs[b], gs[b]).wait()

        def scatter_add(j, b):
            pltpu.sync_copy(rs[b], acc.at[idx_d.at[j]], add=True)

        pltpu.async_copy(z_hbm, acc.at[pl.ds(sid * RPW, RPW)], zs)
        pltpu.sync_copy(src_hbm.at[wid * 2], idx_s)
        pltpu.sync_copy(dst_hbm.at[wid * 2], idx_d)
        gather(0, 0)
        pltpu.make_async_copy(z_hbm, acc.at[pl.ds(sid * RPW, RPW)], zs).wait()

        plsc.subcore_barrier()

        @pl.loop(0, 2)
        def _(h):
            @pl.when(h > 0)
            def _():
                pltpu.sync_copy(src_hbm.at[wid * 2 + h], idx_s)
                pltpu.sync_copy(dst_hbm.at[wid * 2 + h], idx_d)
                gather(0, 0)

            @pl.loop(0, KH // 2)
            def _(jj):
                j0 = 2 * jj
                gather(j0 + 1, 1)
                gather_wait(0)
                scatter_add(j0, 0)

                @pl.when(j0 + 2 < KH)
                def _():
                    gather(j0 + 2, 0)

                gather_wait(1)
                scatter_add(j0 + 1, 1)

        plsc.subcore_barrier()

        pltpu.sync_copy(acc.at[pl.ds(sid * RPW, RPW)],
                        out_hbm.at[pl.ds(cid * ACC_ROWS + sid * RPW, RPW)])

    return segsum(x, src_r, dst_r, zeros)


def _mlp_body(x_ref, p0_ref, p1_ref, wa_ref, ba_ref, wb_ref, bb_ref, o_ref):
    pre = 1.1 * x_ref[...] + p0_ref[0] + p1_ref[0]
    t = _leaky(
        jnp.dot(pre, wa_ref[...], preferred_element_type=jnp.float32,
                precision=lax.Precision.HIGHEST) + ba_ref[...]
    )
    v = jnp.dot(t, wb_ref[...], preferred_element_type=jnp.float32,
                precision=lax.Precision.HIGHEST) + bb_ref[...]
    o_ref[...] = _leaky(_leaky(v))


def _mlp_layer(x, p, wa, ba, wb, bb):
    row = lambda i: (i, 0)
    full = lambda i: (0, 0)
    return pl.pallas_call(
        _mlp_body,
        out_shape=jax.ShapeDtypeStruct((N, D), jnp.float32),
        grid=(GRID,),
        in_specs=[
            pl.BlockSpec((BM, D), row),
            pl.BlockSpec((1, BM, D), lambda i: (0, i, 0)),
            pl.BlockSpec((1, BM, D), lambda i: (1, i, 0)),
            pl.BlockSpec((D, D), full),
            pl.BlockSpec((1, D), full),
            pl.BlockSpec((D, D), full),
            pl.BlockSpec((1, D), full),
        ],
        out_specs=pl.BlockSpec((BM, D), row),
    )(x, p, p, wa, ba, wb, bb)


def _mlp2_body(x_ref, p0_ref, p1_ref, wa_ref, ba_ref, wb_ref, bb_ref,
               wc1_ref, bc1_ref, wc2_ref, bc2_ref, o_ref, acc_ref):
    i = pl.program_id(0)
    pre = 1.1 * x_ref[...] + p0_ref[0] + p1_ref[0]
    t = _leaky(
        jnp.dot(pre, wa_ref[...], preferred_element_type=jnp.float32,
                precision=lax.Precision.HIGHEST) + ba_ref[...]
    )
    v = jnp.dot(t, wb_ref[...], preferred_element_type=jnp.float32,
                precision=lax.Precision.HIGHEST) + bb_ref[...]
    h2 = _leaky(_leaky(v))
    s = jnp.sum(h2, axis=0, keepdims=True)

    @pl.when(i == 0)
    def _():
        acc_ref[...] = s

    @pl.when(i > 0)
    def _():
        acc_ref[...] += s

    @pl.when(i == pl.num_programs(0) - 1)
    def _():
        em = acc_ref[...]
        z = _leaky(
            jnp.dot(em, wc1_ref[...], preferred_element_type=jnp.float32,
                    precision=lax.Precision.HIGHEST) + bc1_ref[...]
        )
        o_ref[...] = jnp.dot(
            z, wc2_ref[...], preferred_element_type=jnp.float32,
            precision=lax.Precision.HIGHEST) + bc2_ref[...]


def _mlp_layer2(h, p, wa, ba, wb, bb, wc1, bc1, wc2p, bc2p):
    row = lambda i: (i, 0)
    full = lambda i: (0, 0)
    return pl.pallas_call(
        _mlp2_body,
        out_shape=jax.ShapeDtypeStruct((1, D), jnp.float32),
        grid=(GRID,),
        in_specs=[
            pl.BlockSpec((BM, D), row),
            pl.BlockSpec((1, BM, D), lambda i: (0, i, 0)),
            pl.BlockSpec((1, BM, D), lambda i: (1, i, 0)),
            pl.BlockSpec((D, D), full),
            pl.BlockSpec((1, D), full),
            pl.BlockSpec((D, D), full),
            pl.BlockSpec((1, D), full),
            pl.BlockSpec((D, D), full),
            pl.BlockSpec((1, D), full),
            pl.BlockSpec((D, D), full),
            pl.BlockSpec((1, D), full),
        ],
        out_specs=pl.BlockSpec((1, D), full),
        scratch_shapes=[pltpu.VMEM((1, D), jnp.float32)],
    )(h, p, p, wa, ba, wb, bb, wc1, bc1, wc2p, bc2p)


def kernel(x, edge_index, W0a, b0a, W0b, b0b, W1a, b1a, W1b, b1b,
           Wc1, bc1, Wc2, bc2):
    src = edge_index[0].astype(jnp.int32).reshape(NW, EW)
    dst = edge_index[1].astype(jnp.int32).reshape(NW, EW)
    src_r = jnp.pad(src, ((0, 0), (0, EW_PAD - EW))).reshape(NW * 2, KH, C)
    dst_r = jnp.pad(dst, ((0, 0), (0, EW_PAD - EW)),
                    constant_values=TRASH).reshape(NW * 2, KH, C)
    zeros = jnp.zeros((RPW, D), jnp.float32)

    b0a_, b0b_, b1a_, b1b_, bc1_ = (
        b.reshape(1, D) for b in (b0a, b0b, b1a, b1b, bc1))
    Wc2p = jnp.pad(Wc2, ((0, 0), (0, D - Wc2.shape[1])))
    bc2p = jnp.pad(bc2, (0, D - bc2.shape[0])).reshape(1, D)

    p1 = _segment_sum_sc(x, src_r, dst_r, zeros).reshape(2, ACC_ROWS, D)
    h1 = _mlp_layer(x, p1, W0a, b0a_, W0b, b0b_)
    p2 = _segment_sum_sc(h1, src_r, dst_r, zeros).reshape(2, ACC_ROWS, D)
    cl = _mlp_layer2(h1, p2, W1a, b1a_, W1b, b1b_, Wc1, bc1_, Wc2p, bc2p)
    return cl[:, : Wc2.shape[1]]

# --- scband reference (transcript-rebuilt; emitter-appended) ---
"""Pipeline reference for scband-gin-89120571392061 (READ-ONLY COPY).

The authoritative reference and input builder live on the scoring server;
editing this copy changes nothing except your own understanding.
"""

import jax, jax.numpy as jnp
import numpy as np

D = 128
DIM1 = 128
NUM_CLASSES = 10
N_NODES = 10000
N_EDGES = 320000
EPS = 0.1

def leaky(x):
    return jnp.where(x > 0, x, 0.01 * x)

def setup_inputs(seed: int = 0) -> dict:
    key = jax.random.key(seed)
    ks = jax.random.split(key, 16)
    x = jax.random.normal(ks[0], (N_NODES, D), dtype=jnp.float32)
    edge_index = jax.random.randint(ks[1], (2, N_EDGES), 0, N_NODES, dtype=jnp.int64)
    s_d = 1.0 / np.sqrt(D)
    s_h = 1.0 / np.sqrt(DIM1)
    return {
        'x': x,
        'edge_index': edge_index,
        'W0a': jax.random.normal(ks[2], (D, DIM1), dtype=jnp.float32) * s_d,
        'b0a': jnp.zeros((DIM1,), dtype=jnp.float32),
        'W0b': jax.random.normal(ks[3], (DIM1, DIM1), dtype=jnp.float32) * s_h,
        'b0b': jnp.zeros((DIM1,), dtype=jnp.float32),
        'W1a': jax.random.normal(ks[4], (DIM1, DIM1), dtype=jnp.float32) * s_h,
        'b1a': jnp.zeros((DIM1,), dtype=jnp.float32),
        'W1b': jax.random.normal(ks[5], (DIM1, DIM1), dtype=jnp.float32) * s_h,
        'b1b': jnp.zeros((DIM1,), dtype=jnp.float32),
        'Wc1': jax.random.normal(ks[6], (DIM1, DIM1), dtype=jnp.float32) * s_h,
        'bc1': jnp.zeros((DIM1,), dtype=jnp.float32),
        'Wc2': jax.random.normal(ks[7], (DIM1, NUM_CLASSES), dtype=jnp.float32) * s_h,
        'bc2': jnp.zeros((NUM_CLASSES,), dtype=jnp.float32),
    }

def gin_conv(x, edge_index, Wa, ba, Wb, bb):
    # DGL GINConv with 'sum' aggregation: h = MLP((1+eps)*x + sum_{j in N(i)} x_j)
    src = edge_index[0]
    dst = edge_index[1]
    agg = jax.ops.segment_sum(jnp.take(x, src, axis=0), dst, num_segments=x.shape[0])
    h = (1.0 + EPS) * x + agg
    h = leaky(h @ Wa + ba)
    h = leaky(h @ Wb + bb)
    return h

def reference(x, edge_index, W0a, b0a, W0b, b0b, W1a, b1a, W1b, b1b, Wc1, bc1, Wc2, bc2):
    # single-graph batch (len(X_list) == 1)
    h = leaky(gin_conv(x, edge_index, W0a, b0a, W0b, b0b))
    h = leaky(gin_conv(h, edge_index, W1a, b1a, W1b, b1b))
    em = h.sum(axis=0).reshape(1, -1)
    cl = leaky(em @ Wc1 + bc1) @ Wc2 + bc2
    return cl

if __name__ == "__main__":
    import jax
    _d = setup_inputs()
    print(jax.jit(kernel)(*tuple(_d.values())))

</pallas_src>

<mosaic_0001>
#map = affine_map<(d0, d1) -> (0, 0)>
#map1 = affine_map<(d0, d1) -> (0, 0, 0)>
module attributes {stable_mosaic.version = 14 : i64} {
  func.func @segsum(%arg0: i32, %arg1: i32, %arg2: memref<10000x128xf32, #tpu.memory_space<hbm>>, %arg3: memref<64x40x128xi32, #tpu.memory_space<hbm>>, %arg4: memref<64x40x128xi32, #tpu.memory_space<hbm>>, %arg5: memref<632x128xf32, #tpu.memory_space<hbm>>, %arg6: memref<20224x128xf32, #tpu.memory_space<hbm>>, %arg7: memref<40x128xi32, #tpu.memory_space<vmem>>, %arg8: memref<40x128xi32, #tpu.memory_space<vmem>>, %arg9: memref<128x128xf32, #tpu.memory_space<vmem>>, %arg10: memref<128x128xf32, #tpu.memory_space<vmem>>, %arg11: memref<10112x128xf32, #tpu.memory_space<vmem_shared>>, %arg12: memref<!tpu.dma_semaphore, #tpu.memory_space<semaphore_mem>>, %arg13: memref<!tpu.dma_semaphore, #tpu.memory_space<semaphore_mem>>, %arg14: memref<!tpu.dma_semaphore, #tpu.memory_space<semaphore_mem>>) attributes {dimension_semantics = [#tpu.dimension_semantics<core_parallel>, #tpu.dimension_semantics<subcore_parallel>], iteration_bounds = array<i64: 2, 16>, scalar_prefetch = 0 : i64, scratch_operands = 8 : i64, tpu.core_type = #tpu.core_type<sc_vector_subcore>, window_params = [{transform_indices = #map}, {transform_indices = #map1}, {transform_indices = #map1}, {transform_indices = #map}, {transform_indices = #map}]} {
    %mul3A = arith.constant 16 : i32
    %mul3A_0 = arith.muli %arg0, %mul3A : i32
    %add3A = arith.addi %mul3A_0, %arg1 : i32
    %mul3A_1 = arith.constant 632 : i32
    %mul3A_2 = arith.muli %arg1, %mul3A_1 : i32
    %dma_start3A = arith.constant 0 : i32
    %dma_start3A_3 = tpu.memref_slice %arg11[%mul3A_2, %dma_start3A] : memref<10112x128xf32, #tpu.memory_space<vmem_shared>> -> memref<632x128xf32, #tpu.memory_space<vmem_shared>>
    tpu.enqueue_dma source(%arg5 : memref<632x128xf32, #tpu.memory_space<hbm>>) target(%dma_start3A_3 : memref<632x128xf32, #tpu.memory_space<vmem_shared>>) target_semaphore(%arg14 : memref<!tpu.dma_semaphore, #tpu.memory_space<semaphore_mem>>)
    %mul3A_4 = arith.constant 2 : i32
    %mul3A_5 = arith.muli %add3A, %mul3A_4 : i32
    "tpu.region"() ({
      %run_scoped3A = tpu.sem_alloc : memref<!tpu.dma_semaphore, #tpu.memory_space<semaphore_mem>>
      %dma_start3A_30 = arith.constant 0 : i32
      %dma_start3A_31 = arith.constant 0 : i32
      %dma_start3A_32 = tpu.memref_slice %arg3[%mul3A_5, %dma_start3A_30, %dma_start3A_31] : memref<64x40x128xi32, #tpu.memory_space<hbm>> -> memref<1x40x128xi32, #tpu.memory_space<hbm>>
      %dma_start3A_33 = tpu.memref_squeeze %dma_start3A_32 : memref<1x40x128xi32, #tpu.memory_space<hbm>> -> memref<40x128xi32, #tpu.memory_space<hbm>>
      %dma_start3A_34 = arith.constant 0 : i32
      %dma_start3A_35 = arith.constant 0 : i32
      %dma_start3A_36 = tpu.memref_slice %arg3[%mul3A_5, %dma_start3A_34, %dma_start3A_35] : memref<64x40x128xi32, #tpu.memory_space<hbm>> -> memref<1x40x128xi32, #tpu.memory_space<hbm>>
      %dma_start3A_37 = tpu.memref_squeeze %dma_start3A_36 : memref<1x40x128xi32, #tpu.memory_space<hbm>> -> memref<40x128xi32, #tpu.memory_space<hbm>>
      tpu.enqueue_dma source(%dma_start3A_37 : memref<40x128xi32, #tpu.memory_space<hbm>>) target(%arg7 : memref<40x128xi32, #tpu.memory_space<vmem>>) target_semaphore(%run_scoped3A : memref<!tpu.dma_semaphore, #tpu.memory_space<semaphore_mem>>)
      %dma_wait3A_38 = arith.constant 0 : i32
      %dma_wait3A_39 = arith.constant 0 : i32
      %dma_wait3A_40 = tpu.memref_slice %arg3[%mul3A_5, %dma_wait3A_38, %dma_wait3A_39] : memref<64x40x128xi32, #tpu.memory_space<hbm>> -> memref<1x40x128xi32, #tpu.memory_space<hbm>>
      %dma_wait3A_41 = tpu.memref_squeeze %dma_wait3A_40 : memref<1x40x128xi32, #tpu.memory_space<hbm>> -> memref<40x128xi32, #tpu.memory_space<hbm>>
      %dma_wait3A_42 = arith.constant 0 : i32
      %dma_wait3A_43 = arith.constant 0 : i32
      %dma_wait3A_44 = tpu.memref_slice %arg3[%mul3A_5, %dma_wait3A_42, %dma_wait3A_43] : memref<64x40x128xi32, #tpu.memory_space<hbm>> -> memref<1x40x128xi32, #tpu.memory_space<hbm>>
      %dma_wait3A_45 = tpu.memref_squeeze %dma_wait3A_44 : memref<1x40x128xi32, #tpu.memory_space<hbm>> -> memref<40x128xi32, #tpu.memory_space<hbm>>
      tpu.wait_dma2 semaphore(%run_scoped3A : memref<!tpu.dma_semaphore, #tpu.memory_space<semaphore_mem>>) src(%dma_wait3A_45 : memref<40x128xi32, #tpu.memory_space<hbm>>) dst(%arg7 : memref<40x128xi32, #tpu.memory_space<vmem>>)
      tpu.yield
    }) : () -> ()
    %mul3A_6 = arith.constant 2 : i32
    %mul3A_7 = arith.muli %add3A, %mul3A_6 : i32
    "tpu.region"() ({
      %run_scoped3A = tpu.sem_alloc : memref<!tpu.dma_semaphore, #tpu.memory_space<semaphore_mem>>
      %dma_start3A_30 = arith.constant 0 : i32
      %dma_start3A_31 = arith.constant 0 : i32
      %dma_start3A_32 = tpu.memref_slice %arg4[%mul3A_7, %dma_start3A_30, %dma_start3A_31] : memref<64x40x128xi32, #tpu.memory_space<hbm>> -> memref<1x40x128xi32, #tpu.memory_space<hbm>>
      %dma_start3A_33 = tpu.memref_squeeze %dma_start3A_32 : memref<1x40x128xi32, #tpu.memory_space<hbm>> -> memref<40x128xi32, #tpu.memory_space<hbm>>
      %dma_start3A_34 = arith.constant 0 : i32
      %dma_start3A_35 = arith.constant 0 : i32
      %dma_start3A_36 = tpu.memref_slice %arg4[%mul3A_7, %dma_start3A_34, %dma_start3A_35] : memref<64x40x128xi32, #tpu.memory_space<hbm>> -> memref<1x40x128xi32, #tpu.memory_space<hbm>>
      %dma_start3A_37 = tpu.memref_squeeze %dma_start3A_36 : memref<1x40x128xi32, #tpu.memory_space<hbm>> -> memref<40x128xi32, #tpu.memory_space<hbm>>
      tpu.enqueue_dma source(%dma_start3A_37 : memref<40x128xi32, #tpu.memory_space<hbm>>) target(%arg8 : memref<40x128xi32, #tpu.memory_space<vmem>>) target_semaphore(%run_scoped3A : memref<!tpu.dma_semaphore, #tpu.memory_space<semaphore_mem>>)
      %dma_wait3A_38 = arith.constant 0 : i32
      %dma_wait3A_39 = arith.constant 0 : i32
      %dma_wait3A_40 = tpu.memref_slice %arg4[%mul3A_7, %dma_wait3A_38, %dma_wait3A_39] : memref<64x40x128xi32, #tpu.memory_space<hbm>> -> memref<1x40x128xi32, #tpu.memory_space<hbm>>
      %dma_wait3A_41 = tpu.memref_squeeze %dma_wait3A_40 : memref<1x40x128xi32, #tpu.memory_space<hbm>> -> memref<40x128xi32, #tpu.memory_space<hbm>>
      %dma_wait3A_42 = arith.constant 0 : i32
      %dma_wait3A_43 = arith.constant 0 : i32
      %dma_wait3A_44 = tpu.memref_slice %arg4[%mul3A_7, %dma_wait3A_42, %dma_wait3A_43] : memref<64x40x128xi32, #tpu.memory_space<hbm>> -> memref<1x40x128xi32, #tpu.memory_space<hbm>>
      %dma_wait3A_45 = tpu.memref_squeeze %dma_wait3A_44 : memref<1x40x128xi32, #tpu.memory_space<hbm>> -> memref<40x128xi32, #tpu.memory_space<hbm>>
      tpu.wait_dma2 semaphore(%run_scoped3A : memref<!tpu.dma_semaphore, #tpu.memory_space<semaphore_mem>>) src(%dma_wait3A_45 : memref<40x128xi32, #tpu.memory_space<hbm>>) dst(%arg8 : memref<40x128xi32, #tpu.memory_space<vmem>>)
      tpu.yield
    }) : () -> ()
    %dma_start3A_8 = arith.constant 0 : i32
    %dma_start3A_9 = arith.constant 0 : i32
    %dma_start3A_10 = tpu.memref_slice %arg7[%dma_start3A_8, %dma_start3A_9] : memref<40x128xi32, #tpu.memory_space<vmem>> -> memref<1x128xi32, #tpu.memory_space<vmem>>
    %dma_start3A_11 = tpu.memref_squeeze %dma_start3A_10 : memref<1x128xi32, #tpu.memory_space<vmem>> -> memref<128xi32, #tpu.memory_space<vmem>>
    %dma_start3A_12 = arith.constant 0 : i32
    %dma_start3A_13 = arith.constant 0 : i32
    %dma_start3A_14 = tpu.memref_slice %arg2[%dma_start3A_12, %dma_start3A_13] : memref<10000x128xf32, #tpu.memory_space<hbm>> -> memref<10000x128xf32, #tpu.memory_space<hbm>>
    tpu.enqueue_indirect_dma source(%dma_start3A_14 : memref<10000x128xf32, #tpu.memory_space<hbm>>) target(%arg9 : memref<128x128xf32, #tpu.memory_space<vmem>>) offsets(%dma_start3A_11 : memref<128xi32, #tpu.memory_space<vmem>>) semaphore(%arg12 : memref<!tpu.dma_semaphore, #tpu.memory_space<semaphore_mem>>)
    %mul3A_15 = arith.constant 632 : i32
    %mul3A_16 = arith.muli %arg1, %mul3A_15 : i32
    %dma_wait3A = arith.constant 0 : i32
    %dma_wait3A_17 = tpu.memref_slice %arg11[%mul3A_16, %dma_wait3A] : memref<10112x128xf32, #tpu.memory_space<vmem_shared>> -> memref<632x128xf32, #tpu.memory_space<vmem_shared>>
    tpu.wait_dma2 semaphore(%arg14 : memref<!tpu.dma_semaphore, #tpu.memory_space<semaphore_mem>>) src(%arg5 : memref<632x128xf32, #tpu.memory_space<hbm>>) dst(%dma_wait3A_17 : memref<632x128xf32, #tpu.memory_space<vmem_shared>>)
    %barrier3A = arith.constant 0 : index
    tpu.barrier barrier_id(%barrier3A)
    %scan3A = arith.constant 0 : i32
    %scan3A_18 = arith.constant 2 : i32
    %scan3A_19 = arith.addi %scan3A, %scan3A_18 : i32
    %scan3A_20 = arith.constant 1 : i32
    scf.for %scan3A_30 = %scan3A to %scan3A_19 step %scan3A_20  : i32 {
      %mul3A_31 = arith.constant 1 : i32
      %mul3A_32 = arith.muli %scan3A_30, %mul3A_31 : i32
      %add3A_33 = arith.constant 0 : i32
      %add3A_34 = arith.addi %add3A_33, %mul3A_32 : i32
      %gt3A = arith.constant 0 : i32
      %gt3A_35 = arith.cmpi sgt, %add3A_34, %gt3A : i32
      %convert_element_type3A = arith.extui %gt3A_35 : i1 to i32
      %cond3A = arith.constant 0 : i32
      %cond3A_36 = arith.cmpi ne, %convert_element_type3A, %cond3A : i32
      scf.if %cond3A_36 {
        %mul3A_42 = arith.constant 2 : i32
        %mul3A_43 = arith.muli %add3A, %mul3A_42 : i32
        %add3A_44 = arith.addi %mul3A_43, %add3A_34 : i32
        "tpu.region"() ({
          %run_scoped3A = tpu.sem_alloc : memref<!tpu.dma_semaphore, #tpu.memory_space<semaphore_mem>>
          %dma_start3A_55 = arith.constant 0 : i32
          %dma_start3A_56 = arith.constant 0 : i32
          %dma_start3A_57 = tpu.memref_slice %arg3[%add3A_44, %dma_start3A_55, %dma_start3A_56] : memref<64x40x128xi32, #tpu.memory_space<hbm>> -> memref<1x40x128xi32, #tpu.memory_space<hbm>>
          %dma_start3A_58 = tpu.memref_squeeze %dma_start3A_57 : memref<1x40x128xi32, #tpu.memory_space<hbm>> -> memref<40x128xi32, #tpu.memory_space<hbm>>
          %dma_start3A_59 = arith.constant 0 : i32
          %dma_start3A_60 = arith.constant 0 : i32
          %dma_start3A_61 = tpu.memref_slice %arg3[%add3A_44, %dma_start3A_59, %dma_start3A_60] : memref<64x40x128xi32, #tpu.memory_space<hbm>> -> memref<1x40x128xi32, #tpu.memory_space<hbm>>
          %dma_start3A_62 = tpu.memref_squeeze %dma_start3A_61 : memref<1x40x128xi32, #tpu.memory_space<hbm>> -> memref<40x128xi32, #tpu.memory_space<hbm>>
          tpu.enqueue_dma source(%dma_start3A_62 : memref<40x128xi32, #tpu.memory_space<hbm>>) target(%arg7 : memref<40x128xi32, #tpu.memory_space<vmem>>) target_semaphore(%run_scoped3A : memref<!tpu.dma_semaphore, #tpu.memory_space<semaphore_mem>>)
          %dma_wait3A_63 = arith.constant 0 : i32
          %dma_wait3A_64 = arith.constant 0 : i32
          %dma_wait3A_65 = tpu.memref_slice %arg3[%add3A_44, %dma_wait3A_63, %dma_wait3A_64] : memref<64x40x128xi32, #tpu.memory_space<hbm>> -> memref<1x40x128xi32, #tpu.memory_space<hbm>>
          %dma_wait3A_66 = tpu.memref_squeeze %dma_wait3A_65 : memref<1x40x128xi32, #tpu.memory_space<hbm>> -> memref<40x128xi32, #tpu.memory_space<hbm>>
          %dma_wait3A_67 = arith.constant 0 : i32
          %dma_wait3A_68 = arith.constant 0 : i32
          %dma_wait3A_69 = tpu.memref_slice %arg3[%add3A_44, %dma_wait3A_67, %dma_wait3A_68] : memref<64x40x128xi32, #tpu.memory_space<hbm>> -> memref<1x40x128xi32, #tpu.memory_space<hbm>>
          %dma_wait3A_70 = tpu.memref_squeeze %dma_wait3A_69 : memref<1x40x128xi32, #tpu.memory_space<hbm>> -> memref<40x128xi32, #tpu.memory_space<hbm>>
          tpu.wait_dma2 semaphore(%run_scoped3A : memref<!tpu.dma_semaphore, #tpu.memory_space<semaphore_mem>>) src(%dma_wait3A_70 : memref<40x128xi32, #tpu.memory_space<hbm>>) dst(%arg7 : memref<40x128xi32, #tpu.memory_space<vmem>>)
          tpu.yield
        }) : () -> ()
        %mul3A_45 = arith.constant 2 : i32
        %mul3A_46 = arith.muli %add3A, %mul3A_45 : i32
        %add3A_47 = arith.addi %mul3A_46, %add3A_34 : i32
        "tpu.region"() ({
          %run_scoped3A = tpu.sem_alloc : memref<!tpu.dma_semaphore, #tpu.memory_space<semaphore_mem>>
          %dma_start3A_55 = arith.constant 0 : i32
          %dma_start3A_56 = arith.constant 0 : i32
          %dma_start3A_57 = tpu.memref_slice %arg4[%add3A_47, %dma_start3A_55, %dma_start3A_56] : memref<64x40x128xi32, #tpu.memory_space<hbm>> -> memref<1x40x128xi32, #tpu.memory_space<hbm>>
          %dma_start3A_58 = tpu.memref_squeeze %dma_start3A_57 : memref<1x40x128xi32, #tpu.memory_space<hbm>> -> memref<40x128xi32, #tpu.memory_space<hbm>>
          %dma_start3A_59 = arith.constant 0 : i32
          %dma_start3A_60 = arith.constant 0 : i32
          %dma_start3A_61 = tpu.memref_slice %arg4[%add3A_47, %dma_start3A_59, %dma_start3A_60] : memref<64x40x128xi32, #tpu.memory_space<hbm>> -> memref<1x40x128xi32, #tpu.memory_space<hbm>>
          %dma_start3A_62 = tpu.memref_squeeze %dma_start3A_61 : memref<1x40x128xi32, #tpu.memory_space<hbm>> -> memref<40x128xi32, #tpu.memory_space<hbm>>
          tpu.enqueue_dma source(%dma_start3A_62 : memref<40x128xi32, #tpu.memory_space<hbm>>) target(%arg8 : memref<40x128xi32, #tpu.memory_space<vmem>>) target_semaphore(%run_scoped3A : memref<!tpu.dma_semaphore, #tpu.memory_space<semaphore_mem>>)
          %dma_wait3A_63 = arith.constant 0 : i32
          %dma_wait3A_64 = arith.constant 0 : i32
          %dma_wait3A_65 = tpu.memref_slice %arg4[%add3A_47, %dma_wait3A_63, %dma_wait3A_64] : memref<64x40x128xi32, #tpu.memory_space<hbm>> -> memref<1x40x128xi32, #tpu.memory_space<hbm>>
          %dma_wait3A_66 = tpu.memref_squeeze %dma_wait3A_65 : memref<1x40x128xi32, #tpu.memory_space<hbm>> -> memref<40x128xi32, #tpu.memory_space<hbm>>
          %dma_wait3A_67 = arith.constant 0 : i32
          %dma_wait3A_68 = arith.constant 0 : i32
          %dma_wait3A_69 = tpu.memref_slice %arg4[%add3A_47, %dma_wait3A_67, %dma_wait3A_68] : memref<64x40x128xi32, #tpu.memory_space<hbm>> -> memref<1x40x128xi32, #tpu.memory_space<hbm>>
          %dma_wait3A_70 = tpu.memref_squeeze %dma_wait3A_69 : memref<1x40x128xi32, #tpu.memory_space<hbm>> -> memref<40x128xi32, #tpu.memory_space<hbm>>
          tpu.wait_dma2 semaphore(%run_scoped3A : memref<!tpu.dma_semaphore, #tpu.memory_space<semaphore_mem>>) src(%dma_wait3A_70 : memref<40x128xi32, #tpu.memory_space<hbm>>) dst(%arg8 : memref<40x128xi32, #tpu.memory_space<vmem>>)
          tpu.yield
        }) : () -> ()
        %dma_start3A_48 = arith.constant 0 : i32
        %dma_start3A_49 = arith.constant 0 : i32
        %dma_start3A_50 = tpu.memref_slice %arg7[%dma_start3A_48, %dma_start3A_49] : memref<40x128xi32, #tpu.memory_space<vmem>> -> memref<1x128xi32, #tpu.memory_space<vmem>>
        %dma_start3A_51 = tpu.memref_squeeze %dma_start3A_50 : memref<1x128xi32, #tpu.memory_space<vmem>> -> memref<128xi32, #tpu.memory_space<vmem>>
        %dma_start3A_52 = arith.constant 0 : i32
        %dma_start3A_53 = arith.constant 0 : i32
        %dma_start3A_54 = tpu.memref_slice %arg2[%dma_start3A_52, %dma_start3A_53] : memref<10000x128xf32, #tpu.memory_space<hbm>> -> memref<10000x128xf32, #tpu.memory_space<hbm>>
        tpu.enqueue_indirect_dma source(%dma_start3A_54 : memref<10000x128xf32, #tpu.memory_space<hbm>>) target(%arg9 : memref<128x128xf32, #tpu.memory_space<vmem>>) offsets(%dma_start3A_51 : memref<128xi32, #tpu.memory_space<vmem>>) semaphore(%arg12 : memref<!tpu.dma_semaphore, #tpu.memory_space<semaphore_mem>>)
      } else {
      }
      %scan3A_37 = arith.constant 0 : i32
      %scan3A_38 = arith.constant 20 : i32
      %scan3A_39 = arith.addi %scan3A_37, %scan3A_38 : i32
      %scan3A_40 = arith.constant 1 : i32
      scf.for %scan3A_42 = %scan3A_37 to %scan3A_39 step %scan3A_40  : i32 {
        %mul3A_43 = arith.constant 1 : i32
        %mul3A_44 = arith.muli %scan3A_42, %mul3A_43 : i32
        %add3A_45 = arith.constant 0 : i32
        %add3A_46 = arith.addi %add3A_45, %mul3A_44 : i32
        %mul3A_47 = arith.constant 2 : i32
        %mul3A_48 = arith.muli %mul3A_47, %add3A_46 : i32
        %add3A_49 = arith.constant 1 : i32
        %add3A_50 = arith.addi %mul3A_48, %add3A_49 : i32
        %dma_start3A_51 = arith.constant 0 : i32
        %dma_start3A_52 = tpu.memref_slice %arg7[%add3A_50, %dma_start3A_51] : memref<40x128xi32, #tpu.memory_space<vmem>> -> memref<1x128xi32, #tpu.memory_space<vmem>>
        %dma_start3A_53 = tpu.memref_squeeze %dma_start3A_52 : memref<1x128xi32, #tpu.memory_space<vmem>> -> memref<128xi32, #tpu.memory_space<vmem>>
        %dma_start3A_54 = arith.constant 0 : i32
        %dma_start3A_55 = arith.constant 0 : i32
        %dma_start3A_56 = tpu.memref_slice %arg2[%dma_start3A_54, %dma_start3A_55] : memref<10000x128xf32, #tpu.memory_space<hbm>> -> memref<10000x128xf32, #tpu.memory_space<hbm>>
        tpu.enqueue_indirect_dma source(%dma_start3A_56 : memref<10000x128xf32, #tpu.memory_space<hbm>>) target(%arg10 : memref<128x128xf32, #tpu.memory_space<vmem>>) offsets(%dma_start3A_53 : memref<128xi32, #tpu.memory_space<vmem>>) semaphore(%arg13 : memref<!tpu.dma_semaphore, #tpu.memory_space<semaphore_mem>>)
        %dma_wait3A_57 = arith.constant 0 : i32
        %dma_wait3A_58 = arith.constant 0 : i32
        %dma_wait3A_59 = tpu.memref_slice %arg2[%dma_wait3A_57, %dma_wait3A_58] : memref<10000x128xf32, #tpu.memory_space<hbm>> -> memref<128x128xf32, #tpu.memory_space<hbm>>
        %dma_wait3A_60 = arith.constant 0 : i32
        %dma_wait3A_61 = arith.constant 0 : i32
        %dma_wait3A_62 = tpu.memref_slice %arg2[%dma_wait3A_60, %dma_wait3A_61] : memref<10000x128xf32, #tpu.memory_space<hbm>> -> memref<128x128xf32, #tpu.memory_space<hbm>>
        tpu.wait_dma2 semaphore(%arg12 : memref<!tpu.dma_semaphore, #tpu.memory_space<semaphore_mem>>) src(%dma_wait3A_62 : memref<128x128xf32, #tpu.memory_space<hbm>>) dst(%arg9 : memref<128x128xf32, #tpu.memory_space<vmem>>)
        "tpu.region"() ({
          %run_scoped3A = tpu.sem_alloc : memref<!tpu.dma_semaphore, #tpu.memory_space<semaphore_mem>>
          %dma_start3A_77 = arith.constant 0 : i32
          %dma_start3A_78 = tpu.memref_slice %arg8[%mul3A_48, %dma_start3A_77] : memref<40x128xi32, #tpu.memory_space<vmem>> -> memref<1x128xi32, #tpu.memory_space<vmem>>
          %dma_start3A_79 = tpu.memref_squeeze %dma_start3A_78 : memref<1x128xi32, #tpu.memory_space<vmem>> -> memref<128xi32, #tpu.memory_space<vmem>>
          %dma_start3A_80 = arith.constant 0 : i32
          %dma_start3A_81 = arith.constant 0 : i32
          %dma_start3A_82 = tpu.memref_slice %arg11[%dma_start3A_80, %dma_start3A_81] : memref<10112x128xf32, #tpu.memory_space<vmem_shared>> -> memref<10112x128xf32, #tpu.memory_space<vmem_shared>>
          tpu.enqueue_indirect_dma source(%arg9 : memref<128x128xf32, #tpu.memory_space<vmem>>) target(%dma_start3A_82 : memref<10112x128xf32, #tpu.memory_space<vmem_shared>>) offsets(%dma_start3A_79 : memref<128xi32, #tpu.memory_space<vmem>>) semaphore(%run_scoped3A : memref<!tpu.dma_semaphore, #tpu.memory_space<semaphore_mem>>) {add = true}
          %dma_wait3A_83 = arith.constant 0 : i32
          %dma_wait3A_84 = tpu.memref_slice %arg8[%mul3A_48, %dma_wait3A_83] : memref<40x128xi32, #tpu.memory_space<vmem>> -> memref<1x128xi32, #tpu.memory_space<vmem>>
          %dma_wait3A_85 = tpu.memref_squeeze %dma_wait3A_84 : memref<1x128xi32, #tpu.memory_space<vmem>> -> memref<128xi32, #tpu.memory_space<vmem>>
          %dma_wait3A_86 = arith.constant 0 : i32
          %dma_wait3A_87 = arith.constant 0 : i32
          %dma_wait3A_88 = tpu.memref_slice %arg11[%dma_wait3A_86, %dma_wait3A_87] : memref<10112x128xf32, #tpu.memory_space<vmem_shared>> -> memref<10112x128xf32, #tpu.memory_space<vmem_shared>>
          tpu.wait_indirect_dma semaphore(%run_scoped3A : memref<!tpu.dma_semaphore, #tpu.memory_space<semaphore_mem>>) src(%arg9 : memref<128x128xf32, #tpu.memory_space<vmem>>) dst(%dma_wait3A_88 : memref<10112x128xf32, #tpu.memory_space<vmem_shared>>)
          tpu.yield
        }) : () -> ()
        %add3A_63 = arith.constant 2 : i32
        %add3A_64 = arith.addi %mul3A_48, %add3A_63 : i32
        %lt3A = arith.constant 40 : i32
        %lt3A_65 = arith.cmpi slt, %add3A_64, %lt3A : i32
        %convert_element_type3A_66 = arith.extui %lt3A_65 : i1 to i32
        %cond3A_67 = arith.constant 0 : i32
        %cond3A_68 = arith.cmpi ne, %convert_element_type3A_66, %cond3A_67 : i32
        scf.if %cond3A_68 {
          %add3A_77 = arith.constant 2 : i32
          %add3A_78 = arith.addi %mul3A_48, %add3A_77 : i32
          %dma_start3A_79 = arith.constant 0 : i32
          %dma_start3A_80 = tpu.memref_slice %arg7[%add3A_78, %dma_start3A_79] : memref<40x128xi32, #tpu.memory_space<vmem>> -> memref<1x128xi32, #tpu.memory_space<vmem>>
          %dma_start3A_81 = tpu.memref_squeeze %dma_start3A_80 : memref<1x128xi32, #tpu.memory_space<vmem>> -> memref<128xi32, #tpu.memory_space<vmem>>
          %dma_start3A_82 = arith.constant 0 : i32
          %dma_start3A_83 = arith.constant 0 : i32
          %dma_start3A_84 = tpu.memref_slice %arg2[%dma_start3A_82, %dma_start3A_83] : memref<10000x128xf32, #tpu.memory_space<hbm>> -> memref<10000x128xf32, #tpu.memory_space<hbm>>
          tpu.enqueue_indirect_dma source(%dma_start3A_84 : memref<10000x128xf32, #tpu.memory_space<hbm>>) target(%arg9 : memref<128x128xf32, #tpu.memory_space<vmem>>) offsets(%dma_start3A_81 : memref<128xi32, #tpu.memory_space<vmem>>) semaphore(%arg12 : memref<!tpu.dma_semaphore, #tpu.memory_space<semaphore_mem>>)
        } else {
        }
        %dma_wait3A_69 = arith.constant 0 : i32
        %dma_wait3A_70 = arith.constant 0 : i32
        %dma_wait3A_71 = tpu.memref_slice %arg2[%dma_wait3A_69, %dma_wait3A_70] : memref<10000x128xf32, #tpu.memory_space<hbm>> -> memref<128x128xf32, #tpu.memory_space<hbm>>
        %dma_wait3A_72 = arith.constant 0 : i32
        %dma_wait3A_73 = arith.constant 0 : i32
        %dma_wait3A_74 = tpu.memref_slice %arg2[%dma_wait3A_72, %dma_wait3A_73] : memref<10000x128xf32, #tpu.memory_space<hbm>> -> memref<128x128xf32, #tpu.memory_space<hbm>>
        tpu.wait_dma2 semaphore(%arg13 : memref<!tpu.dma_semaphore, #tpu.memory_space<semaphore_mem>>) src(%dma_wait3A_74 : memref<128x128xf32, #tpu.memory_space<hbm>>) dst(%arg10 : memref<128x128xf32, #tpu.memory_space<vmem>>)
        %add3A_75 = arith.constant 1 : i32
        %add3A_76 = arith.addi %mul3A_48, %add3A_75 : i32
        "tpu.region"() ({
          %run_scoped3A = tpu.sem_alloc : memref<!tpu.dma_semaphore, #tpu.memory_space<semaphore_mem>>
          %dma_start3A_77 = arith.constant 0 : i32
          %dma_start3A_78 = tpu.memref_slice %arg8[%add3A_76, %dma_start3A_77] : memref<40x128xi32, #tpu.memory_space<vmem>> -> memref<1x128xi32, #tpu.memory_space<vmem>>
          %dma_start3A_79 = tpu.memref_squeeze %dma_start3A_78 : memref<1x128xi32, #tpu.memory_space<vmem>> -> memref<128xi32, #tpu.memory_space<vmem>>
          %dma_start3A_80 = arith.constant 0 : i32
          %dma_start3A_81 = arith.constant 0 : i32
          %dma_start3A_82 = tpu.memref_slice %arg11[%dma_start3A_80, %dma_start3A_81] : memref<10112x128xf32, #tpu.memory_space<vmem_shared>> -> memref<10112x128xf32, #tpu.memory_space<vmem_shared>>
          tpu.enqueue_indirect_dma source(%arg10 : memref<128x128xf32, #tpu.memory_space<vmem>>) target(%dma_start3A_82 : memref<10112x128xf32, #tpu.memory_space<vmem_shared>>) offsets(%dma_start3A_79 : memref<128xi32, #tpu.memory_space<vmem>>) semaphore(%run_scoped3A : memref<!tpu.dma_semaphore, #tpu.memory_space<semaphore_mem>>) {add = true}
          %dma_wait3A_83 = arith.constant 0 : i32
          %dma_wait3A_84 = tpu.memref_slice %arg8[%add3A_76, %dma_wait3A_83] : memref<40x128xi32, #tpu.memory_space<vmem>> -> memref<1x128xi32, #tpu.memory_space<vmem>>
          %dma_wait3A_85 = tpu.memref_squeeze %dma_wait3A_84 : memref<1x128xi32, #tpu.memory_space<vmem>> -> memref<128xi32, #tpu.memory_space<vmem>>
          %dma_wait3A_86 = arith.constant 0 : i32
          %dma_wait3A_87 = arith.constant 0 : i32
          %dma_wait3A_88 = tpu.memref_slice %arg11[%dma_wait3A_86, %dma_wait3A_87] : memref<10112x128xf32, #tpu.memory_space<vmem_shared>> -> memref<10112x128xf32, #tpu.memory_space<vmem_shared>>
          tpu.wait_indirect_dma semaphore(%run_scoped3A : memref<!tpu.dma_semaphore, #tpu.memory_space<semaphore_mem>>) src(%arg10 : memref<128x128xf32, #tpu.memory_space<vmem>>) dst(%dma_wait3A_88 : memref<10112x128xf32, #tpu.memory_space<vmem_shared>>)
          tpu.yield
        }) : () -> ()
      }
      %scan3A_41 = arith.constant 20 : i32
    }
    %scan3A_21 = arith.constant 2 : i32
    %barrier3A_22 = arith.constant 0 : index
    tpu.barrier barrier_id(%barrier3A_22)
    %mul3A_23 = arith.constant 632 : i32
    %mul3A_24 = arith.muli %arg1, %mul3A_23 : i32
    %mul3A_25 = arith.constant 10112 : i32
    %mul3A_26 = arith.muli %arg0, %mul3A_25 : i32
    %mul3A_27 = arith.constant 632 : i32
    %mul3A_28 = arith.muli %arg1, %mul3A_27 : i32
    %add3A_29 = arith.addi %mul3A_26, %mul3A_28 : i32
    "tpu.region"() ({
      %run_scoped3A = tpu.sem_alloc : memref<!tpu.dma_semaphore, #tpu.memory_space<semaphore_mem>>
      %dma_start3A_30 = arith.constant 0 : i32
      %dma_start3A_31 = tpu.memref_slice %arg6[%add3A_29, %dma_start3A_30] : memref<20224x128xf32, #tpu.memory_space<hbm>> -> memref<632x128xf32, #tpu.memory_space<hbm>>
      %dma_start3A_32 = arith.constant 0 : i32
      %dma_start3A_33 = tpu.memref_slice %arg11[%mul3A_24, %dma_start3A_32] : memref<10112x128xf32, #tpu.memory_space<vmem_shared>> -> memref<632x128xf32, #tpu.memory_space<vmem_shared>>
      tpu.enqueue_dma source(%dma_start3A_33 : memref<632x128xf32, #tpu.memory_space<vmem_shared>>) target(%dma_start3A_31 : memref<632x128xf32, #tpu.memory_space<hbm>>) target_semaphore(%run_scoped3A : memref<!tpu.dma_semaphore, #tpu.memory_space<semaphore_mem>>)
      %dma_wait3A_34 = arith.constant 0 : i32
      %dma_wait3A_35 = tpu.memref_slice %arg6[%add3A_29, %dma_wait3A_34] : memref<20224x128xf32, #tpu.memory_space<hbm>> -> memref<632x128xf32, #tpu.memory_space<hbm>>
      %dma_wait3A_36 = arith.constant 0 : i32
      %dma_wait3A_37 = tpu.memref_slice %arg11[%mul3A_24, %dma_wait3A_36] : memref<10112x128xf32, #tpu.memory_space<vmem_shared>> -> memref<632x128xf32, #tpu.memory_space<vmem_shared>>
      tpu.wait_dma2 semaphore(%run_scoped3A : memref<!tpu.dma_semaphore, #tpu.memory_space<semaphore_mem>>) src(%dma_wait3A_37 : memref<632x128xf32, #tpu.memory_space<vmem_shared>>) dst(%dma_wait3A_35 : memref<632x128xf32, #tpu.memory_space<hbm>>)
      tpu.yield
    }) : () -> ()
    return
  }
}

#map = affine_map<(d0, d1) -> (0, 0)>
#map1 = affine_map<(d0, d1) -> (0, 0, 0)>
module attributes {stable_mosaic.version = 14 : i64} {
  func.func @segsum(%arg0: i32, %arg1: i32, %arg2: memref<10000x128xf32, #tpu.memory_space<hbm>>, %arg3: memref<64x40x128xi32, #tpu.memory_space<hbm>>, %arg4: memref<64x40x128xi32, #tpu.memory_space<hbm>>, %arg5: memref<632x128xf32, #tpu.memory_space<hbm>>, %arg6: memref<20224x128xf32, #tpu.memory_space<hbm>>, %arg7: memref<40x128xi32, #tpu.memory_space<vmem>>, %arg8: memref<40x128xi32, #tpu.memory_space<vmem>>, %arg9: memref<128x128xf32, #tpu.memory_space<vmem>>, %arg10: memref<128x128xf32, #tpu.memory_space<vmem>>, %arg11: memref<10112x128xf32, #tpu.memory_space<vmem_shared>>, %arg12: memref<!tpu.dma_semaphore, #tpu.memory_space<semaphore_mem>>, %arg13: memref<!tpu.dma_semaphore, #tpu.memory_space<semaphore_mem>>, %arg14: memref<!tpu.dma_semaphore, #tpu.memory_space<semaphore_mem>>) attributes {dimension_semantics = [#tpu.dimension_semantics<core_parallel>, #tpu.dimension_semantics<subcore_parallel>], iteration_bounds = array<i64: 2, 16>, scalar_prefetch = 0 : i64, scratch_operands = 8 : i64, tpu.core_type = #tpu.core_type<sc_vector_subcore>, window_params = [{transform_indices = #map}, {transform_indices = #map1}, {transform_indices = #map1}, {transform_indices = #map}, {transform_indices = #map}]} {
    %mul3A = arith.constant 16 : i32
    %mul3A_0 = arith.muli %arg0, %mul3A : i32
    %add3A = arith.addi %mul3A_0, %arg1 : i32
    %mul3A_1 = arith.constant 632 : i32
    %mul3A_2 = arith.muli %arg1, %mul3A_1 : i32
    %dma_start3A = arith.constant 0 : i32
    %dma_start3A_3 = tpu.memref_slice %arg11[%mul3A_2, %dma_start3A] : memref<10112x128xf32, #tpu.memory_space<vmem_shared>> -> memref<632x128xf32, #tpu.memory_space<vmem_shared>>
    tpu.enqueue_dma source(%arg5 : memref<632x128xf32, #tpu.memory_space<hbm>>) target(%dma_start3A_3 : memref<632x128xf32, #tpu.memory_space<vmem_shared>>) target_semaphore(%arg14 : memref<!tpu.dma_semaphore, #tpu.memory_space<semaphore_mem>>)
    %mul3A_4 = arith.constant 2 : i32
    %mul3A_5 = arith.muli %add3A, %mul3A_4 : i32
    "tpu.region"() ({
      %run_scoped3A = tpu.sem_alloc : memref<!tpu.dma_semaphore, #tpu.memory_space<semaphore_mem>>
      %dma_start3A_30 = arith.constant 0 : i32
      %dma_start3A_31 = arith.constant 0 : i32
      %dma_start3A_32 = tpu.memref_slice %arg3[%mul3A_5, %dma_start3A_30, %dma_start3A_31] : memref<64x40x128xi32, #tpu.memory_space<hbm>> -> memref<1x40x128xi32, #tpu.memory_space<hbm>>
      %dma_start3A_33 = tpu.memref_squeeze %dma_start3A_32 : memref<1x40x128xi32, #tpu.memory_space<hbm>> -> memref<40x128xi32, #tpu.memory_space<hbm>>
      %dma_start3A_34 = arith.constant 0 : i32
      %dma_start3A_35 = arith.constant 0 : i32
      %dma_start3A_36 = tpu.memref_slice %arg3[%mul3A_5, %dma_start3A_34, %dma_start3A_35] : memref<64x40x128xi32, #tpu.memory_space<hbm>> -> memref<1x40x128xi32, #tpu.memory_space<hbm>>
      %dma_start3A_37 = tpu.memref_squeeze %dma_start3A_36 : memref<1x40x128xi32, #tpu.memory_space<hbm>> -> memref<40x128xi32, #tpu.memory_space<hbm>>
      tpu.enqueue_dma source(%dma_start3A_37 : memref<40x128xi32, #tpu.memory_space<hbm>>) target(%arg7 : memref<40x128xi32, #tpu.memory_space<vmem>>) target_semaphore(%run_scoped3A : memref<!tpu.dma_semaphore, #tpu.memory_space<semaphore_mem>>)
      %dma_wait3A_38 = arith.constant 0 : i32
      %dma_wait3A_39 = arith.constant 0 : i32
      %dma_wait3A_40 = tpu.memref_slice %arg3[%mul3A_5, %dma_wait3A_38, %dma_wait3A_39] : memref<64x40x128xi32, #tpu.memory_space<hbm>> -> memref<1x40x128xi32, #tpu.memory_space<hbm>>
      %dma_wait3A_41 = tpu.memref_squeeze %dma_wait3A_40 : memref<1x40x128xi32, #tpu.memory_space<hbm>> -> memref<40x128xi32, #tpu.memory_space<hbm>>
      %dma_wait3A_42 = arith.constant 0 : i32
      %dma_wait3A_43 = arith.constant 0 : i32
      %dma_wait3A_44 = tpu.memref_slice %arg3[%mul3A_5, %dma_wait3A_42, %dma_wait3A_43] : memref<64x40x128xi32, #tpu.memory_space<hbm>> -> memref<1x40x128xi32, #tpu.memory_space<hbm>>
      %dma_wait3A_45 = tpu.memref_squeeze %dma_wait3A_44 : memref<1x40x128xi32, #tpu.memory_space<hbm>> -> memref<40x128xi32, #tpu.memory_space<hbm>>
      tpu.wait_dma2 semaphore(%run_scoped3A : memref<!tpu.dma_semaphore, #tpu.memory_space<semaphore_mem>>) src(%dma_wait3A_45 : memref<40x128xi32, #tpu.memory_space<hbm>>) dst(%arg7 : memref<40x128xi32, #tpu.memory_space<vmem>>)
      tpu.yield
    }) : () -> ()
    %mul3A_6 = arith.constant 2 : i32
    %mul3A_7 = arith.muli %add3A, %mul3A_6 : i32
    "tpu.region"() ({
      %run_scoped3A = tpu.sem_alloc : memref<!tpu.dma_semaphore, #tpu.memory_space<semaphore_mem>>
      %dma_start3A_30 = arith.constant 0 : i32
      %dma_start3A_31 = arith.constant 0 : i32
      %dma_start3A_32 = tpu.memref_slice %arg4[%mul3A_7, %dma_start3A_30, %dma_start3A_31] : memref<64x40x128xi32, #tpu.memory_space<hbm>> -> memref<1x40x128xi32, #tpu.memory_space<hbm>>
      %dma_start3A_33 = tpu.memref_squeeze %dma_start3A_32 : memref<1x40x128xi32, #tpu.memory_space<hbm>> -> memref<40x128xi32, #tpu.memory_space<hbm>>
      %dma_start3A_34 = arith.constant 0 : i32
      %dma_start3A_35 = arith.constant 0 : i32
      %dma_start3A_36 = tpu.memref_slice %arg4[%mul3A_7, %dma_start3A_34, %dma_start3A_35] : memref<64x40x128xi32, #tpu.memory_space<hbm>> -> memref<1x40x128xi32, #tpu.memory_space<hbm>>
      %dma_start3A_37 = tpu.memref_squeeze %dma_start3A_36 : memref<1x40x128xi32, #tpu.memory_space<hbm>> -> memref<40x128xi32, #tpu.memory_space<hbm>>
      tpu.enqueue_dma source(%dma_start3A_37 : memref<40x128xi32, #tpu.memory_space<hbm>>) target(%arg8 : memref<40x128xi32, #tpu.memory_space<vmem>>) target_semaphore(%run_scoped3A : memref<!tpu.dma_semaphore, #tpu.memory_space<semaphore_mem>>)
      %dma_wait3A_38 = arith.constant 0 : i32
      %dma_wait3A_39 = arith.constant 0 : i32
      %dma_wait3A_40 = tpu.memref_slice %arg4[%mul3A_7, %dma_wait3A_38, %dma_wait3A_39] : memref<64x40x128xi32, #tpu.memory_space<hbm>> -> memref<1x40x128xi32, #tpu.memory_space<hbm>>
      %dma_wait3A_41 = tpu.memref_squeeze %dma_wait3A_40 : memref<1x40x128xi32, #tpu.memory_space<hbm>> -> memref<40x128xi32, #tpu.memory_space<hbm>>
      %dma_wait3A_42 = arith.constant 0 : i32
      %dma_wait3A_43 = arith.constant 0 : i32
      %dma_wait3A_44 = tpu.memref_slice %arg4[%mul3A_7, %dma_wait3A_42, %dma_wait3A_43] : memref<64x40x128xi32, #tpu.memory_space<hbm>> -> memref<1x40x128xi32, #tpu.memory_space<hbm>>
      %dma_wait3A_45 = tpu.memref_squeeze %dma_wait3A_44 : memref<1x40x128xi32, #tpu.memory_space<hbm>> -> memref<40x128xi32, #tpu.memory_space<hbm>>
      tpu.wait_dma2 semaphore(%run_scoped3A : memref<!tpu.dma_semaphore, #tpu.memory_space<semaphore_mem>>) src(%dma_wait3A_45 : memref<40x128xi32, #tpu.memory_space<hbm>>) dst(%arg8 : memref<40x128xi32, #tpu.memory_space<vmem>>)
      tpu.yield
    }) : () -> ()
    %dma_start3A_8 = arith.constant 0 : i32
    %dma_start3A_9 = arith.constant 0 : i32
    %dma_start3A_10 = tpu.memref_slice %arg7[%dma_start3A_8, %dma_start3A_9] : memref<40x128xi32, #tpu.memory_space<vmem>> -> memref<1x128xi32, #tpu.memory_space<vmem>>
    %dma_start3A_11 = tpu.memref_squeeze %dma_start3A_10 : memref<1x128xi32, #tpu.memory_space<vmem>> -> memref<128xi32, #tpu.memory_space<vmem>>
    %dma_start3A_12 = arith.constant 0 : i32
    %dma_start3A_13 = arith.constant 0 : i32
    %dma_start3A_14 = tpu.memref_slice %arg2[%dma_start3A_12, %dma_start3A_13] : memref<10000x128xf32, #tpu.memory_space<hbm>> -> memref<10000x128xf32, #tpu.memory_space<hbm>>
    tpu.enqueue_indirect_dma source(%dma_start3A_14 : memref<10000x128xf32, #tpu.memory_space<hbm>>) target(%arg9 : memref<128x128xf32, #tpu.memory_space<vmem>>) offsets(%dma_start3A_11 : memref<128xi32, #tpu.memory_space<vmem>>) semaphore(%arg12 : memref<!tpu.dma_semaphore, #tpu.memory_space<semaphore_mem>>)
    %mul3A_15 = arith.constant 632 : i32
    %mul3A_16 = arith.muli %arg1, %mul3A_15 : i32
    %dma_wait3A = arith.constant 0 : i32
    %dma_wait3A_17 = tpu.memref_slice %arg11[%mul3A_16, %dma_wait3A] : memref<10112x128xf32, #tpu.memory_space<vmem_shared>> -> memref<632x128xf32, #tpu.memory_space<vmem_shared>>
    tpu.wait_dma2 semaphore(%arg14 : memref<!tpu.dma_semaphore, #tpu.memory_space<semaphore_mem>>) src(%arg5 : memref<632x128xf32, #tpu.memory_space<hbm>>) dst(%dma_wait3A_17 : memref<632x128xf32, #tpu.memory_space<vmem_shared>>)
    %barrier3A = arith.constant 0 : index
    tpu.barrier barrier_id(%barrier3A)
    %scan3A = arith.constant 0 : i32
    %scan3A_18 = arith.constant 2 : i32
    %scan3A_19 = arith.addi %scan3A, %scan3A_18 : i32
    %scan3A_20 = arith.constant 1 : i32
    scf.for %scan3A_30 = %scan3A to %scan3A_19 step %scan3A_20  : i32 {
      %mul3A_31 = arith.constant 1 : i32
      %mul3A_32 = arith.muli %scan3A_30, %mul3A_31 : i32
      %add3A_33 = arith.constant 0 : i32
      %add3A_34 = arith.addi %add3A_33, %mul3A_32 : i32
      %gt3A = arith.constant 0 : i32
      %gt3A_35 = arith.cmpi sgt, %add3A_34, %gt3A : i32
      %convert_element_type3A = arith.extui %gt3A_35 : i1 to i32
      %cond3A = arith.constant 0 : i32
      %cond3A_36 = arith.cmpi ne, %convert_element_type3A, %cond3A : i32
      scf.if %cond3A_36 {
        %mul3A_42 = arith.constant 2 : i32
        %mul3A_43 = arith.muli %add3A, %mul3A_42 : i32
        %add3A_44 = arith.addi %mul3A_43, %add3A_34 : i32
        "tpu.region"() ({
          %run_scoped3A = tpu.sem_alloc : memref<!tpu.dma_semaphore, #tpu.memory_space<semaphore_mem>>
          %dma_start3A_55 = arith.constant 0 : i32
          %dma_start3A_56 = arith.constant 0 : i32
          %dma_start3A_57 = tpu.memref_slice %arg3[%add3A_44, %dma_start3A_55, %dma_start3A_56] : memref<64x40x128xi32, #tpu.memory_space<hbm>> -> memref<1x40x128xi32, #tpu.memory_space<hbm>>
          %dma_start3A_58 = tpu.memref_squeeze %dma_start3A_57 : memref<1x40x128xi32, #tpu.memory_space<hbm>> -> memref<40x128xi32, #tpu.memory_space<hbm>>
          %dma_start3A_59 = arith.constant 0 : i32
          %dma_start3A_60 = arith.constant 0 : i32
          %dma_start3A_61 = tpu.memref_slice %arg3[%add3A_44, %dma_start3A_59, %dma_start3A_60] : memref<64x40x128xi32, #tpu.memory_space<hbm>> -> memref<1x40x128xi32, #tpu.memory_space<hbm>>
          %dma_start3A_62 = tpu.memref_squeeze %dma_start3A_61 : memref<1x40x128xi32, #tpu.memory_space<hbm>> -> memref<40x128xi32, #tpu.memory_space<hbm>>
          tpu.enqueue_dma source(%dma_start3A_62 : memref<40x128xi32, #tpu.memory_space<hbm>>) target(%arg7 : memref<40x128xi32, #tpu.memory_space<vmem>>) target_semaphore(%run_scoped3A : memref<!tpu.dma_semaphore, #tpu.memory_space<semaphore_mem>>)
          %dma_wait3A_63 = arith.constant 0 : i32
          %dma_wait3A_64 = arith.constant 0 : i32
          %dma_wait3A_65 = tpu.memref_slice %arg3[%add3A_44, %dma_wait3A_63, %dma_wait3A_64] : memref<64x40x128xi32, #tpu.memory_space<hbm>> -> memref<1x40x128xi32, #tpu.memory_space<hbm>>
          %dma_wait3A_66 = tpu.memref_squeeze %dma_wait3A_65 : memref<1x40x128xi32, #tpu.memory_space<hbm>> -> memref<40x128xi32, #tpu.memory_space<hbm>>
          %dma_wait3A_67 = arith.constant 0 : i32
          %dma_wait3A_68 = arith.constant 0 : i32
          %dma_wait3A_69 = tpu.memref_slice %arg3[%add3A_44, %dma_wait3A_67, %dma_wait3A_68] : memref<64x40x128xi32, #tpu.memory_space<hbm>> -> memref<1x40x128xi32, #tpu.memory_space<hbm>>
          %dma_wait3A_70 = tpu.memref_squeeze %dma_wait3A_69 : memref<1x40x128xi32, #tpu.memory_space<hbm>> -> memref<40x128xi32, #tpu.memory_space<hbm>>
          tpu.wait_dma2 semaphore(%run_scoped3A : memref<!tpu.dma_semaphore, #tpu.memory_space<semaphore_mem>>) src(%dma_wait3A_70 : memref<40x128xi32, #tpu.memory_space<hbm>>) dst(%arg7 : memref<40x128xi32, #tpu.memory_space<vmem>>)
          tpu.yield
        }) : () -> ()
        %mul3A_45 = arith.constant 2 : i32
        %mul3A_46 = arith.muli %add3A, %mul3A_45 : i32
        %add3A_47 = arith.addi %mul3A_46, %add3A_34 : i32
        "tpu.region"() ({
          %run_scoped3A = tpu.sem_alloc : memref<!tpu.dma_semaphore, #tpu.memory_space<semaphore_mem>>
          %dma_start3A_55 = arith.constant 0 : i32
          %dma_start3A_56 = arith.constant 0 : i32
          %dma_start3A_57 = tpu.memref_slice %arg4[%add3A_47, %dma_start3A_55, %dma_start3A_56] : memref<64x40x128xi32, #tpu.memory_space<hbm>> -> memref<1x40x128xi32, #tpu.memory_space<hbm>>
          %dma_start3A_58 = tpu.memref_squeeze %dma_start3A_57 : memref<1x40x128xi32, #tpu.memory_space<hbm>> -> memref<40x128xi32, #tpu.memory_space<hbm>>
          %dma_start3A_59 = arith.constant 0 : i32
          %dma_start3A_60 = arith.constant 0 : i32
          %dma_start3A_61 = tpu.memref_slice %arg4[%add3A_47, %dma_start3A_59, %dma_start3A_60] : memref<64x40x128xi32, #tpu.memory_space<hbm>> -> memref<1x40x128xi32, #tpu.memory_space<hbm>>
          %dma_start3A_62 = tpu.memref_squeeze %dma_start3A_61 : memref<1x40x128xi32, #tpu.memory_space<hbm>> -> memref<40x128xi32, #tpu.memory_space<hbm>>
          tpu.enqueue_dma source(%dma_start3A_62 : memref<40x128xi32, #tpu.memory_space<hbm>>) target(%arg8 : memref<40x128xi32, #tpu.memory_space<vmem>>) target_semaphore(%run_scoped3A : memref<!tpu.dma_semaphore, #tpu.memory_space<semaphore_mem>>)
          %dma_wait3A_63 = arith.constant 0 : i32
          %dma_wait3A_64 = arith.constant 0 : i32
          %dma_wait3A_65 = tpu.memref_slice %arg4[%add3A_47, %dma_wait3A_63, %dma_wait3A_64] : memref<64x40x128xi32, #tpu.memory_space<hbm>> -> memref<1x40x128xi32, #tpu.memory_space<hbm>>
          %dma_wait3A_66 = tpu.memref_squeeze %dma_wait3A_65 : memref<1x40x128xi32, #tpu.memory_space<hbm>> -> memref<40x128xi32, #tpu.memory_space<hbm>>
          %dma_wait3A_67 = arith.constant 0 : i32
          %dma_wait3A_68 = arith.constant 0 : i32
          %dma_wait3A_69 = tpu.memref_slice %arg4[%add3A_47, %dma_wait3A_67, %dma_wait3A_68] : memref<64x40x128xi32, #tpu.memory_space<hbm>> -> memref<1x40x128xi32, #tpu.memory_space<hbm>>
          %dma_wait3A_70 = tpu.memref_squeeze %dma_wait3A_69 : memref<1x40x128xi32, #tpu.memory_space<hbm>> -> memref<40x128xi32, #tpu.memory_space<hbm>>
          tpu.wait_dma2 semaphore(%run_scoped3A : memref<!tpu.dma_semaphore, #tpu.memory_space<semaphore_mem>>) src(%dma_wait3A_70 : memref<40x128xi32, #tpu.memory_space<hbm>>) dst(%arg8 : memref<40x128xi32, #tpu.memory_space<vmem>>)
          tpu.yield
        }) : () -> ()
        %dma_start3A_48 = arith.constant 0 : i32
        %dma_start3A_49 = arith.constant 0 : i32
        %dma_start3A_50 = tpu.memref_slice %arg7[%dma_start3A_48, %dma_start3A_49] : memref<40x128xi32, #tpu.memory_space<vmem>> -> memref<1x128xi32, #tpu.memory_space<vmem>>
        %dma_start3A_51 = tpu.memref_squeeze %dma_start3A_50 : memref<1x128xi32, #tpu.memory_space<vmem>> -> memref<128xi32, #tpu.memory_space<vmem>>
        %dma_start3A_52 = arith.constant 0 : i32
        %dma_start3A_53 = arith.constant 0 : i32
        %dma_start3A_54 = tpu.memref_slice %arg2[%dma_start3A_52, %dma_start3A_53] : memref<10000x128xf32, #tpu.memory_space<hbm>> -> memref<10000x128xf32, #tpu.memory_space<hbm>>
        tpu.enqueue_indirect_dma source(%dma_start3A_54 : memref<10000x128xf32, #tpu.memory_space<hbm>>) target(%arg9 : memref<128x128xf32, #tpu.memory_space<vmem>>) offsets(%dma_start3A_51 : memref<128xi32, #tpu.memory_space<vmem>>) semaphore(%arg12 : memref<!tpu.dma_semaphore, #tpu.memory_space<semaphore_mem>>)
      } else {
      }
      %scan3A_37 = arith.constant 0 : i32
      %scan3A_38 = arith.constant 20 : i32
      %scan3A_39 = arith.addi %scan3A_37, %scan3A_38 : i32
      %scan3A_40 = arith.constant 1 : i32
      scf.for %scan3A_42 = %scan3A_37 to %scan3A_39 step %scan3A_40  : i32 {
        %mul3A_43 = arith.constant 1 : i32
        %mul3A_44 = arith.muli %scan3A_42, %mul3A_43 : i32
        %add3A_45 = arith.constant 0 : i32
        %add3A_46 = arith.addi %add3A_45, %mul3A_44 : i32
        %mul3A_47 = arith.constant 2 : i32
        %mul3A_48 = arith.muli %mul3A_47, %add3A_46 : i32
        %add3A_49 = arith.constant 1 : i32
        %add3A_50 = arith.addi %mul3A_48, %add3A_49 : i32
        %dma_start3A_51 = arith.constant 0 : i32
        %dma_start3A_52 = tpu.memref_slice %arg7[%add3A_50, %dma_start3A_51] : memref<40x128xi32, #tpu.memory_space<vmem>> -> memref<1x128xi32, #tpu.memory_space<vmem>>
        %dma_start3A_53 = tpu.memref_squeeze %dma_start3A_52 : memref<1x128xi32, #tpu.memory_space<vmem>> -> memref<128xi32, #tpu.memory_space<vmem>>
        %dma_start3A_54 = arith.constant 0 : i32
        %dma_start3A_55 = arith.constant 0 : i32
        %dma_start3A_56 = tpu.memref_slice %arg2[%dma_start3A_54, %dma_start3A_55] : memref<10000x128xf32, #tpu.memory_space<hbm>> -> memref<10000x128xf32, #tpu.memory_space<hbm>>
        tpu.enqueue_indirect_dma source(%dma_start3A_56 : memref<10000x128xf32, #tpu.memory_space<hbm>>) target(%arg10 : memref<128x128xf32, #tpu.memory_space<vmem>>) offsets(%dma_start3A_53 : memref<128xi32, #tpu.memory_space<vmem>>) semaphore(%arg13 : memref<!tpu.dma_semaphore, #tpu.memory_space<semaphore_mem>>)
        %dma_wait3A_57 = arith.constant 0 : i32
        %dma_wait3A_58 = arith.constant 0 : i32
        %dma_wait3A_59 = tpu.memref_slice %arg2[%dma_wait3A_57, %dma_wait3A_58] : memref<10000x128xf32, #tpu.memory_space<hbm>> -> memref<128x128xf32, #tpu.memory_space<hbm>>
        %dma_wait3A_60 = arith.constant 0 : i32
        %dma_wait3A_61 = arith.constant 0 : i32
        %dma_wait3A_62 = tpu.memref_slice %arg2[%dma_wait3A_60, %dma_wait3A_61] : memref<10000x128xf32, #tpu.memory_space<hbm>> -> memref<128x128xf32, #tpu.memory_space<hbm>>
        tpu.wait_dma2 semaphore(%arg12 : memref<!tpu.dma_semaphore, #tpu.memory_space<semaphore_mem>>) src(%dma_wait3A_62 : memref<128x128xf32, #tpu.memory_space<hbm>>) dst(%arg9 : memref<128x128xf32, #tpu.memory_space<vmem>>)
        "tpu.region"() ({
          %run_scoped3A = tpu.sem_alloc : memref<!tpu.dma_semaphore, #tpu.memory_space<semaphore_mem>>
          %dma_start3A_77 = arith.constant 0 : i32
          %dma_start3A_78 = tpu.memref_slice %arg8[%mul3A_48, %dma_start3A_77] : memref<40x128xi32, #tpu.memory_space<vmem>> -> memref<1x128xi32, #tpu.memory_space<vmem>>
          %dma_start3A_79 = tpu.memref_squeeze %dma_start3A_78 : memref<1x128xi32, #tpu.memory_space<vmem>> -> memref<128xi32, #tpu.memory_space<vmem>>
          %dma_start3A_80 = arith.constant 0 : i32
          %dma_start3A_81 = arith.constant 0 : i32
          %dma_start3A_82 = tpu.memref_slice %arg11[%dma_start3A_80, %dma_start3A_81] : memref<10112x128xf32, #tpu.memory_space<vmem_shared>> -> memref<10112x128xf32, #tpu.memory_space<vmem_shared>>
          tpu.enqueue_indirect_dma source(%arg9 : memref<128x128xf32, #tpu.memory_space<vmem>>) target(%dma_start3A_82 : memref<10112x128xf32, #tpu.memory_space<vmem_shared>>) offsets(%dma_start3A_79 : memref<128xi32, #tpu.memory_space<vmem>>) semaphore(%run_scoped3A : memref<!tpu.dma_semaphore, #tpu.memory_space<semaphore_mem>>) {add = true}
          %dma_wait3A_83 = arith.constant 0 : i32
          %dma_wait3A_84 = tpu.memref_slice %arg8[%mul3A_48, %dma_wait3A_83] : memref<40x128xi32, #tpu.memory_space<vmem>> -> memref<1x128xi32, #tpu.memory_space<vmem>>
          %dma_wait3A_85 = tpu.memref_squeeze %dma_wait3A_84 : memref<1x128xi32, #tpu.memory_space<vmem>> -> memref<128xi32, #tpu.memory_space<vmem>>
          %dma_wait3A_86 = arith.constant 0 : i32
          %dma_wait3A_87 = arith.constant 0 : i32
          %dma_wait3A_88 = tpu.memref_slice %arg11[%dma_wait3A_86, %dma_wait3A_87] : memref<10112x128xf32, #tpu.memory_space<vmem_shared>> -> memref<10112x128xf32, #tpu.memory_space<vmem_shared>>
          tpu.wait_indirect_dma semaphore(%run_scoped3A : memref<!tpu.dma_semaphore, #tpu.memory_space<semaphore_mem>>) src(%arg9 : memref<128x128xf32, #tpu.memory_space<vmem>>) dst(%dma_wait3A_88 : memref<10112x128xf32, #tpu.memory_space<vmem_shared>>)
          tpu.yield
        }) : () -> ()
        %add3A_63 = arith.constant 2 : i32
        %add3A_64 = arith.addi %mul3A_48, %add3A_63 : i32
        %lt3A = arith.constant 40 : i32
        %lt3A_65 = arith.cmpi slt, %add3A_64, %lt3A : i32
        %convert_element_type3A_66 = arith.extui %lt3A_65 : i1 to i32
        %cond3A_67 = arith.constant 0 : i32
        %cond3A_68 = arith.cmpi ne, %convert_element_type3A_66, %cond3A_67 : i32
        scf.if %cond3A_68 {
          %add3A_77 = arith.constant 2 : i32
          %add3A_78 = arith.addi %mul3A_48, %add3A_77 : i32
          %dma_start3A_79 = arith.constant 0 : i32
          %dma_start3A_80 = tpu.memref_slice %arg7[%add3A_78, %dma_start3A_79] : memref<40x128xi32, #tpu.memory_space<vmem>> -> memref<1x128xi32, #tpu.memory_space<vmem>>
          %dma_start3A_81 = tpu.memref_squeeze %dma_start3A_80 : memref<1x128xi32, #tpu.memory_space<vmem>> -> memref<128xi32, #tpu.memory_space<vmem>>
          %dma_start3A_82 = arith.constant 0 : i32
          %dma_start3A_83 = arith.constant 0 : i32
          %dma_start3A_84 = tpu.memref_slice %arg2[%dma_start3A_82, %dma_start3A_83] : memref<10000x128xf32, #tpu.memory_space<hbm>> -> memref<10000x128xf32, #tpu.memory_space<hbm>>
          tpu.enqueue_indirect_dma source(%dma_start3A_84 : memref<10000x128xf32, #tpu.memory_space<hbm>>) target(%arg9 : memref<128x128xf32, #tpu.memory_space<vmem>>) offsets(%dma_start3A_81 : memref<128xi32, #tpu.memory_space<vmem>>) semaphore(%arg12 : memref<!tpu.dma_semaphore, #tpu.memory_space<semaphore_mem>>)
        } else {
        }
        %dma_wait3A_69 = arith.constant 0 : i32
        %dma_wait3A_70 = arith.constant 0 : i32
        %dma_wait3A_71 = tpu.memref_slice %arg2[%dma_wait3A_69, %dma_wait3A_70] : memref<10000x128xf32, #tpu.memory_space<hbm>> -> memref<128x128xf32, #tpu.memory_space<hbm>>
        %dma_wait3A_72 = arith.constant 0 : i32
        %dma_wait3A_73 = arith.constant 0 : i32
        %dma_wait3A_74 = tpu.memref_slice %arg2[%dma_wait3A_72, %dma_wait3A_73] : memref<10000x128xf32, #tpu.memory_space<hbm>> -> memref<128x128xf32, #tpu.memory_space<hbm>>
        tpu.wait_dma2 semaphore(%arg13 : memref<!tpu.dma_semaphore, #tpu.memory_space<semaphore_mem>>) src(%dma_wait3A_74 : memref<128x128xf32, #tpu.memory_space<hbm>>) dst(%arg10 : memref<128x128xf32, #tpu.memory_space<vmem>>)
        %add3A_75 = arith.constant 1 : i32
        %add3A_76 = arith.addi %mul3A_48, %add3A_75 : i32
        "tpu.region"() ({
          %run_scoped3A = tpu.sem_alloc : memref<!tpu.dma_semaphore, #tpu.memory_space<semaphore_mem>>
          %dma_start3A_77 = arith.constant 0 : i32
          %dma_start3A_78 = tpu.memref_slice %arg8[%add3A_76, %dma_start3A_77] : memref<40x128xi32, #tpu.memory_space<vmem>> -> memref<1x128xi32, #tpu.memory_space<vmem>>
          %dma_start3A_79 = tpu.memref_squeeze %dma_start3A_78 : memref<1x128xi32, #tpu.memory_space<vmem>> -> memref<128xi32, #tpu.memory_space<vmem>>
          %dma_start3A_80 = arith.constant 0 : i32
          %dma_start3A_81 = arith.constant 0 : i32
          %dma_start3A_82 = tpu.memref_slice %arg11[%dma_start3A_80, %dma_start3A_81] : memref<10112x128xf32, #tpu.memory_space<vmem_shared>> -> memref<10112x128xf32, #tpu.memory_space<vmem_shared>>
          tpu.enqueue_indirect_dma source(%arg10 : memref<128x128xf32, #tpu.memory_space<vmem>>) target(%dma_start3A_82 : memref<10112x128xf32, #tpu.memory_space<vmem_shared>>) offsets(%dma_start3A_79 : memref<128xi32, #tpu.memory_space<vmem>>) semaphore(%run_scoped3A : memref<!tpu.dma_semaphore, #tpu.memory_space<semaphore_mem>>) {add = true}
          %dma_wait3A_83 = arith.constant 0 : i32
          %dma_wait3A_84 = tpu.memref_slice %arg8[%add3A_76, %dma_wait3A_83] : memref<40x128xi32, #tpu.memory_space<vmem>> -> memref<1x128xi32, #tpu.memory_space<vmem>>
          %dma_wait3A_85 = tpu.memref_squeeze %dma_wait3A_84 : memref<1x128xi32, #tpu.memory_space<vmem>> -> memref<128xi32, #tpu.memory_space<vmem>>
          %dma_wait3A_86 = arith.constant 0 : i32
          %dma_wait3A_87 = arith.constant 0 : i32
          %dma_wait3A_88 = tpu.memref_slice %arg11[%dma_wait3A_86, %dma_wait3A_87] : memref<10112x128xf32, #tpu.memory_space<vmem_shared>> -> memref<10112x128xf32, #tpu.memory_space<vmem_shared>>
          tpu.wait_indirect_dma semaphore(%run_scoped3A : memref<!tpu.dma_semaphore, #tpu.memory_space<semaphore_mem>>) src(%arg10 : memref<128x128xf32, #tpu.memory_space<vmem>>) dst(%dma_wait3A_88 : memref<10112x128xf32, #tpu.memory_space<vmem_shared>>)
          tpu.yield
        }) : () -> ()
      }
      %scan3A_41 = arith.constant 20 : i32
    }
    %scan3A_21 = arith.constant 2 : i32
    %barrier3A_22 = arith.constant 0 : index
    tpu.barrier barrier_id(%barrier3A_22)
    %mul3A_23 = arith.constant 632 : i32
    %mul3A_24 = arith.muli %arg1, %mul3A_23 : i32
    %mul3A_25 = arith.constant 10112 : i32
    %mul3A_26 = arith.muli %arg0, %mul3A_25 : i32
    %mul3A_27 = arith.constant 632 : i32
    %mul3A_28 = arith.muli %arg1, %mul3A_27 : i32
    %add3A_29 = arith.addi %mul3A_26, %mul3A_28 : i32
    "tpu.region"() ({
      %run_scoped3A = tpu.sem_alloc : memref<!tpu.dma_semaphore, #tpu.memory_space<semaphore_mem>>
      %dma_start3A_30 = arith.constant 0 : i32
      %dma_start3A_31 = tpu.memref_slice %arg6[%add3A_29, %dma_start3A_30] : memref<20224x128xf32, #tpu.memory_space<hbm>> -> memref<632x128xf32, #tpu.memory_space<hbm>>
      %dma_start3A_32 = arith.constant 0 : i32
      %dma_start3A_33 = tpu.memref_slice %arg11[%mul3A_24, %dma_start3A_32] : memref<10112x128xf32, #tpu.memory_space<vmem_shared>> -> memref<632x128xf32, #tpu.memory_space<vmem_shared>>
      tpu.enqueue_dma source(%dma_start3A_33 : memref<632x128xf32, #tpu.memory_space<vmem_shared>>) target(%dma_start3A_31 : memref<632x128xf32, #tpu.memory_space<hbm>>) target_semaphore(%run_scoped3A : memref<!tpu.dma_semaphore, #tpu.memory_space<semaphore_mem>>)
      %dma_wait3A_34 = arith.constant 0 : i32
      %dma_wait3A_35 = tpu.memref_slice %arg6[%add3A_29, %dma_wait3A_34] : memref<20224x128xf32, #tpu.memory_space<hbm>> -> memref<632x128xf32, #tpu.memory_space<hbm>>
      %dma_wait3A_36 = arith.constant 0 : i32
      %dma_wait3A_37 = tpu.memref_slice %arg11[%mul3A_24, %dma_wait3A_36] : memref<10112x128xf32, #tpu.memory_space<vmem_shared>> -> memref<632x128xf32, #tpu.memory_space<vmem_shared>>
      tpu.wait_dma2 semaphore(%run_scoped3A : memref<!tpu.dma_semaphore, #tpu.memory_space<semaphore_mem>>) src(%dma_wait3A_37 : memref<632x128xf32, #tpu.memory_space<vmem_shared>>) dst(%dma_wait3A_35 : memref<632x128xf32, #tpu.memory_space<hbm>>)
      tpu.yield
    }) : () -> ()
    return
  }
}

module attributes {stable_mosaic.version = 14 : i64} {
  func.func @_mlp2_body(%arg0: i32, %arg1: memref<2000x128xf32, #tpu.memory_space<vmem>>, %arg2: memref<1x2000x128xf32, #tpu.memory_space<vmem>>, %arg3: memref<1x2000x128xf32, #tpu.memory_space<vmem>>, %arg4: memref<128x128xf32, #tpu.memory_space<vmem>>, %arg5: memref<1x128xf32, #tpu.memory_space<vmem>>, %arg6: memref<128x128xf32, #tpu.memory_space<vmem>>, %arg7: memref<1x128xf32, #tpu.memory_space<vmem>>, %arg8: memref<128x128xf32, #tpu.memory_space<vmem>>, %arg9: memref<1x128xf32, #tpu.memory_space<vmem>>, %arg10: memref<128x128xf32, #tpu.memory_space<vmem>>, %arg11: memref<1x128xf32, #tpu.memory_space<vmem>>, %arg12: memref<1x128xf32, #tpu.memory_space<vmem>>, %arg13: memref<1x128xf32, #tpu.memory_space<vmem>>) attributes {dimension_semantics = [#tpu.dimension_semantics<arbitrary>], iteration_bounds = array<i64: 5>, scalar_prefetch = 0 : i64, scratch_operands = 1 : i64, tpu.core_type = #tpu.core_type<tc>, window_params = [{transform_indices = @transform_0, window_bounds = array<i64: 2000, 128>}, {transform_indices = @transform_1, window_bounds = array<i64: 1, 2000, 128>}, {transform_indices = @transform_2, window_bounds = array<i64: 1, 2000, 128>}, {pipeline_mode = #tpu.pipeline_mode<synchronous>, transform_indices = @transform_3, window_bounds = array<i64: 128, 128>}, {pipeline_mode = #tpu.pipeline_mode<synchronous>, transform_indices = @transform_4, window_bounds = array<i64: 1, 128>}, {pipeline_mode = #tpu.pipeline_mode<synchronous>, transform_indices = @transform_5, window_bounds = array<i64: 128, 128>}, {pipeline_mode = #tpu.pipeline_mode<synchronous>, transform_indices = @transform_6, window_bounds = array<i64: 1, 128>}, {pipeline_mode = #tpu.pipeline_mode<synchronous>, transform_indices = @transform_7, window_bounds = array<i64: 128, 128>}, {pipeline_mode = #tpu.pipeline_mode<synchronous>, transform_indices = @transform_8, window_bounds = array<i64: 1, 128>}, {pipeline_mode = #tpu.pipeline_mode<synchronous>, transform_indices = @transform_9, window_bounds = array<i64: 128, 128>}, {pipeline_mode = #tpu.pipeline_mode<synchronous>, transform_indices = @transform_10, window_bounds = array<i64: 1, 128>}, {pipeline_mode = #tpu.pipeline_mode<synchronous>, transform_indices = @transform_11, window_bounds = array<i64: 1, 128>}]} {
    %get3A = arith.constant 0 : index
    %get3A_0 = arith.constant 0 : index
    %get3A_1 = vector.load %arg1[%get3A, %get3A_0] : memref<2000x128xf32, #tpu.memory_space<vmem>>, vector<2000x128xf32>
    %mul3A = arith.constant 1.100000e+00 : f32
    %mul3A_2 = vector.broadcast %mul3A : f32 to vector<2000x128xf32>
    %mul3A_3 = arith.mulf %mul3A_2, %get3A_1 : vector<2000x128xf32>
    %get3A_4 = arith.constant 0 : index
    %get3A_5 = arith.constant 0 : index
    %get3A_6 = arith.constant 0 : index
    %get3A_7 = vector.load %arg2[%get3A_4, %get3A_5, %get3A_6] : memref<1x2000x128xf32, #tpu.memory_space<vmem>>, vector<1x2000x128xf32>
    %get3A_8 = vector.shape_cast %get3A_7 : vector<1x2000x128xf32> to vector<2000x128xf32>
    %add3A = arith.addf %mul3A_3, %get3A_8 : vector<2000x128xf32>
    %get3A_9 = arith.constant 0 : index
    %get3A_10 = arith.constant 0 : index
    %get3A_11 = arith.constant 0 : index
    %get3A_12 = vector.load %arg3[%get3A_9, %get3A_10, %get3A_11] : memref<1x2000x128xf32, #tpu.memory_space<vmem>>, vector<1x2000x128xf32>
    %get3A_13 = vector.shape_cast %get3A_12 : vector<1x2000x128xf32> to vector<2000x128xf32>
    %add3A_14 = arith.addf %add3A, %get3A_13 : vector<2000x128xf32>
    %get3A_15 = arith.constant 0 : index
    %get3A_16 = arith.constant 0 : index
    %get3A_17 = vector.load %arg4[%get3A_15, %get3A_16] : memref<128x128xf32, #tpu.memory_space<vmem>>, vector<128x128xf32>
    %dot_general3A = arith.constant dense<0.000000e+00> : vector<2000x128xf32>
    %dot_general3A_18 = tpu.matmul %add3A_14, %get3A_17, %dot_general3A {dimension_numbers = #tpu.dot_dimension_numbers<[1], [0], [0], [1], [0, 0, 1, 1], [], []>, precision = #tpu.contract_precision<fp32>, transpose_lhs_hint = false} : vector<2000x128xf32>, vector<128x128xf32>, vector<2000x128xf32> -> vector<2000x128xf32>
    %get3A_19 = arith.constant 0 : index
    %get3A_20 = arith.constant 0 : index
    %get3A_21 = vector.load %arg5[%get3A_19, %get3A_20] : memref<1x128xf32, #tpu.memory_space<vmem>>, vector<1x128xf32>
    %add3A_22 = vector.broadcast %get3A_21 : vector<1x128xf32> to vector<2000x128xf32>
    %add3A_23 = arith.addf %dot_general3A_18, %add3A_22 : vector<2000x128xf32>
    %gt3A = arith.constant 0.000000e+00 : f32
    %gt3A_24 = vector.broadcast %gt3A : f32 to vector<2000x128xf32>
    %gt3A_25 = arith.cmpf ogt, %add3A_23, %gt3A_24 : vector<2000x128xf32>
    %mul3A_26 = arith.constant 0.00999999977 : f32
    %mul3A_27 = vector.broadcast %mul3A_26 : f32 to vector<2000x128xf32>
    %mul3A_28 = arith.mulf %mul3A_27, %add3A_23 : vector<2000x128xf32>
    %select_n3A = arith.select %gt3A_25, %add3A_23, %mul3A_28 : vector<2000x128xi1>, vector<2000x128xf32>
    %get3A_29 = arith.constant 0 : index
    %get3A_30 = arith.constant 0 : index
    %get3A_31 = vector.load %arg6[%get3A_29, %get3A_30] : memref<128x128xf32, #tpu.memory_space<vmem>>, vector<128x128xf32>
    %dot_general3A_32 = arith.constant dense<0.000000e+00> : vector<2000x128xf32>
    %dot_general3A_33 = tpu.matmul %select_n3A, %get3A_31, %dot_general3A_32 {dimension_numbers = #tpu.dot_dimension_numbers<[1], [0], [0], [1], [0, 0, 1, 1], [], []>, precision = #tpu.contract_precision<fp32>, transpose_lhs_hint = false} : vector<2000x128xf32>, vector<128x128xf32>, vector<2000x128xf32> -> vector<2000x128xf32>
    %get3A_34 = arith.constant 0 : index
    %get3A_35 = arith.constant 0 : index
    %get3A_36 = vector.load %arg7[%get3A_34, %get3A_35] : memref<1x128xf32, #tpu.memory_space<vmem>>, vector<1x128xf32>
    %add3A_37 = vector.broadcast %get3A_36 : vector<1x128xf32> to vector<2000x128xf32>
    %add3A_38 = arith.addf %dot_general3A_33, %add3A_37 : vector<2000x128xf32>
    %gt3A_39 = arith.constant 0.000000e+00 : f32
    %gt3A_40 = vector.broadcast %gt3A_39 : f32 to vector<2000x128xf32>
    %gt3A_41 = arith.cmpf ogt, %add3A_38, %gt3A_40 : vector<2000x128xf32>
    %mul3A_42 = arith.constant 0.00999999977 : f32
    %mul3A_43 = vector.broadcast %mul3A_42 : f32 to vector<2000x128xf32>
    %mul3A_44 = arith.mulf %mul3A_43, %add3A_38 : vector<2000x128xf32>
    %select_n3A_45 = arith.select %gt3A_41, %add3A_38, %mul3A_44 : vector<2000x128xi1>, vector<2000x128xf32>
    %gt3A_46 = arith.constant 0.000000e+00 : f32
    %gt3A_47 = vector.broadcast %gt3A_46 : f32 to vector<2000x128xf32>
    %gt3A_48 = arith.cmpf ogt, %select_n3A_45, %gt3A_47 : vector<2000x128xf32>
    %mul3A_49 = arith.constant 0.00999999977 : f32
    %mul3A_50 = vector.broadcast %mul3A_49 : f32 to vector<2000x128xf32>
    %mul3A_51 = arith.mulf %mul3A_50, %select_n3A_45 : vector<2000x128xf32>
    %select_n3A_52 = arith.select %gt3A_48, %select_n3A_45, %mul3A_51 : vector<2000x128xi1>, vector<2000x128xf32>
    %reduce_sum3A = arith.constant dense<0.000000e+00> : vector<128xf32>
    %reduce_sum3A_53 = vector.multi_reduction <add>, %select_n3A_52, %reduce_sum3A [0] : vector<2000x128xf32> to vector<128xf32>
    %broadcast_in_dim3A = vector.shape_cast %reduce_sum3A_53 : vector<128xf32> to vector<1x128xf32>
    %eq3A = arith.constant 0 : i32
    %eq3A_54 = arith.cmpi eq, %arg0, %eq3A : i32
    %convert_element_type3A = arith.extui %eq3A_54 : i1 to i32
    %cond3A = arith.constant 0 : i32
    %cond3A_55 = arith.cmpi ne, %convert_element_type3A, %cond3A : i32
    scf.if %cond3A_55 {
      %swap3A = arith.constant 0 : index
      %swap3A_66 = arith.constant 0 : index
      %swap3A_67 = vector.load %arg13[%swap3A, %swap3A_66] : memref<1x128xf32, #tpu.memory_space<vmem>>, vector<1x128xf32>
      tpu.vector_store %arg13[%swap3A, %swap3A_66], %broadcast_in_dim3A {strides = array<i32>} : memref<1x128xf32, #tpu.memory_space<vmem>>, vector<1x128xf32>,
    } else {
    }
    %gt3A_56 = arith.constant 0 : i32
    %gt3A_57 = arith.cmpi sgt, %arg0, %gt3A_56 : i32
    %convert_element_type3A_58 = arith.extui %gt3A_57 : i1 to i32
    %cond3A_59 = arith.constant 0 : i32
    %cond3A_60 = arith.cmpi ne, %convert_element_type3A_58, %cond3A_59 : i32
    scf.if %cond3A_60 {
      %get3A_66 = arith.constant 0 : index
      %get3A_67 = arith.constant 0 : index
      %get3A_68 = vector.load %arg13[%get3A_66, %get3A_67] : memref<1x128xf32, #tpu.memory_space<vmem>>, vector<1x128xf32>
      %add3A_69 = arith.addf %get3A_68, %broadcast_in_dim3A : vector<1x128xf32>
      %swap3A = arith.constant 0 : index
      %swap3A_70 = arith.constant 0 : index
      %swap3A_71 = vector.load %arg13[%swap3A, %swap3A_70] : memref<1x128xf32, #tpu.memory_space<vmem>>, vector<1x128xf32>
      tpu.vector_store %arg13[%swap3A, %swap3A_70], %add3A_69 {strides = array<i32>} : memref<1x128xf32, #tpu.memory_space<vmem>>, vector<1x128xf32>,
    } else {
    }
    %eq3A_61 = arith.constant 4 : i32
    %eq3A_62 = arith.cmpi eq, %arg0, %eq3A_61 : i32
    %convert_element_type3A_63 = arith.extui %eq3A_62 : i1 to i32
    %cond3A_64 = arith.constant 0 : i32
    %cond3A_65 = arith.cmpi ne, %convert_element_type3A_63, %cond3A_64 : i32
    scf.if %cond3A_65 {
      %get3A_66 = arith.constant 0 : index
      %get3A_67 = arith.constant 0 : index
      %get3A_68 = vector.load %arg13[%get3A_66, %get3A_67] : memref<1x128xf32, #tpu.memory_space<vmem>>, vector<1x128xf32>
      %get3A_69 = arith.constant 0 : index
      %get3A_70 = arith.constant 0 : index
      %get3A_71 = vector.load %arg8[%get3A_69, %get3A_70] : memref<128x128xf32, #tpu.memory_space<vmem>>, vector<128x128xf32>
      %dot_general3A_72 = arith.constant dense<0.000000e+00> : vector<1x128xf32>
      %dot_general3A_73 = tpu.matmul %get3A_68, %get3A_71, %dot_general3A_72 {dimension_numbers = #tpu.dot_dimension_numbers<[1], [0], [0], [1], [0, 0, 1, 1], [], []>, precision = #tpu.contract_precision<fp32>, transpose_lhs_hint = false} : vector<1x128xf32>, vector<128x128xf32>, vector<1x128xf32> -> vector<1x128xf32>
      %get3A_74 = arith.constant 0 : index
      %get3A_75 = arith.constant 0 : index
      %get3A_76 = vector.load %arg9[%get3A_74, %get3A_75] : memref<1x128xf32, #tpu.memory_space<vmem>>, vector<1x128xf32>
      %add3A_77 = arith.addf %dot_general3A_73, %get3A_76 : vector<1x128xf32>
      %gt3A_78 = arith.constant 0.000000e+00 : f32
      %gt3A_79 = vector.broadcast %gt3A_78 : f32 to vector<1x128xf32>
      %gt3A_80 = arith.cmpf ogt, %add3A_77, %gt3A_79 : vector<1x128xf32>
      %mul3A_81 = arith.constant 0.00999999977 : f32
      %mul3A_82 = vector.broadcast %mul3A_81 : f32 to vector<1x128xf32>
      %mul3A_83 = arith.mulf %mul3A_82, %add3A_77 : vector<1x128xf32>
      %select_n3A_84 = arith.select %gt3A_80, %add3A_77, %mul3A_83 : vector<1x128xi1>, vector<1x128xf32>
      %get3A_85 = arith.constant 0 : index
      %get3A_86 = arith.constant 0 : index
      %get3A_87 = vector.load %arg10[%get3A_85, %get3A_86] : memref<128x128xf32, #tpu.memory_space<vmem>>, vector<128x128xf32>
      %dot_general3A_88 = arith.constant dense<0.000000e+00> : vector<1x128xf32>
      %dot_general3A_89 = tpu.matmul %select_n3A_84, %get3A_87, %dot_general3A_88 {dimension_numbers = #tpu.dot_dimension_numbers<[1], [0], [0], [1], [0, 0, 1, 1], [], []>, precision = #tpu.contract_precision<fp32>, transpose_lhs_hint = false} : vector<1x128xf32>, vector<128x128xf32>, vector<1x128xf32> -> vector<1x128xf32>
      %get3A_90 = arith.constant 0 : index
      %get3A_91 = arith.constant 0 : index
      %get3A_92 = vector.load %arg11[%get3A_90, %get3A_91] : memref<1x128xf32, #tpu.memory_space<vmem>>, vector<1x128xf32>
      %add3A_93 = arith.addf %dot_general3A_89, %get3A_92 : vector<1x128xf32>
      %swap3A = arith.constant 0 : index
      %swap3A_94 = arith.constant 0 : index
      %swap3A_95 = vector.load %arg12[%swap3A, %swap3A_94] : memref<1x128xf32, #tpu.memory_space<vmem>>, vector<1x128xf32>
      tpu.vector_store %arg12[%swap3A, %swap3A_94], %add3A_93 {strides = array<i32>} : memref<1x128xf32, #tpu.memory_space<vmem>>, vector<1x128xf32>,
    } else {
    }
    return
  }
  func.func @transform_0(%arg0: i32) -> (i32, i32) {
    %c0_i32 = arith.constant 0 : i32
    %c0_i32_0 = arith.constant 0 : i32
    return %arg0, %c0_i32 : i32, i32
  }
  func.func @transform_1(%arg0: i32) -> (i32, i32, i32) {
    %c0_i32 = arith.constant 0 : i32
    %c0_i32_0 = arith.constant 0 : i32
    %c0_i32_1 = arith.constant 0 : i32
    return %c0_i32, %arg0, %c0_i32_0 : i32, i32, i32
  }
  func.func @transform_2(%arg0: i32) -> (i32, i32, i32) {
    %c1_i32 = arith.constant 1 : i32
    %c0_i32 = arith.constant 0 : i32
    %c0_i32_0 = arith.constant 0 : i32
    return %c1_i32, %arg0, %c0_i32 : i32, i32, i32
  }
  func.func @transform_3(%arg0: i32) -> (i32, i32) {
    %c0_i32 = arith.constant 0 : i32
    %c0_i32_0 = arith.constant 0 : i32
    %c0_i32_1 = arith.constant 0 : i32
    return %c0_i32, %c0_i32_0 : i32, i32
  }
  func.func @transform_4(%arg0: i32) -> (i32, i32) {
    %c0_i32 = arith.constant 0 : i32
    %c0_i32_0 = arith.constant 0 : i32
    %c0_i32_1 = arith.constant 0 : i32
    return %c0_i32, %c0_i32_0 : i32, i32
  }
  func.func @transform_5(%arg0: i32) -> (i32, i32) {
    %c0_i32 = arith.constant 0 : i32
    %c0_i32_0 = arith.constant 0 : i32
    %c0_i32_1 = arith.constant 0 : i32
    return %c0_i32, %c0_i32_0 : i32, i32
  }
  func.func @transform_6(%arg0: i32) -> (i32, i32) {
    %c0_i32 = arith.constant 0 : i32
    %c0_i32_0 = arith.constant 0 : i32
    %c0_i32_1 = arith.constant 0 : i32
    return %c0_i32, %c0_i32_0 : i32, i32
  }
  func.func @transform_7(%arg0: i32) -> (i32, i32) {
    %c0_i32 = arith.constant 0 : i32
    %c0_i32_0 = arith.constant 0 : i32
    %c0_i32_1 = arith.constant 0 : i32
    return %c0_i32, %c0_i32_0 : i32, i32
  }
  func.func @transform_8(%arg0: i32) -> (i32, i32) {
    %c0_i32 = arith.constant 0 : i32
    %c0_i32_0 = arith.constant 0 : i32
    %c0_i32_1 = arith.constant 0 : i32
    return %c0_i32, %c0_i32_0 : i32, i32
  }
  func.func @transform_9(%arg0: i32) -> (i32, i32) {
    %c0_i32 = arith.constant 0 : i32
    %c0_i32_0 = arith.constant 0 : i32
    %c0_i32_1 = arith.constant 0 : i32
    return %c0_i32, %c0_i32_0 : i32, i32
  }
  func.func @transform_10(%arg0: i32) -> (i32, i32) {
    %c0_i32 = arith.constant 0 : i32
    %c0_i32_0 = arith.constant 0 : i32
    %c0_i32_1 = arith.constant 0 : i32
    return %c0_i32, %c0_i32_0 : i32, i32
  }
  func.func @transform_11(%arg0: i32) -> (i32, i32) {
    %c0_i32 = arith.constant 0 : i32
    %c0_i32_0 = arith.constant 0 : i32
    %c0_i32_1 = arith.constant 0 : i32
    return %c0_i32, %c0_i32_0 : i32, i32
  }
}

module attributes {stable_mosaic.version = 14 : i64} {
  func.func @_mlp_body(%arg0: i32, %arg1: memref<2000x128xf32, #tpu.memory_space<vmem>>, %arg2: memref<1x2000x128xf32, #tpu.memory_space<vmem>>, %arg3: memref<1x2000x128xf32, #tpu.memory_space<vmem>>, %arg4: memref<128x128xf32, #tpu.memory_space<vmem>>, %arg5: memref<1x128xf32, #tpu.memory_space<vmem>>, %arg6: memref<128x128xf32, #tpu.memory_space<vmem>>, %arg7: memref<1x128xf32, #tpu.memory_space<vmem>>, %arg8: memref<2000x128xf32, #tpu.memory_space<vmem>>) attributes {dimension_semantics = [#tpu.dimension_semantics<arbitrary>], iteration_bounds = array<i64: 5>, scalar_prefetch = 0 : i64, scratch_operands = 0 : i64, tpu.core_type = #tpu.core_type<tc>, window_params = [{transform_indices = @transform_0, window_bounds = array<i64: 2000, 128>}, {transform_indices = @transform_1, window_bounds = array<i64: 1, 2000, 128>}, {transform_indices = @transform_2, window_bounds = array<i64: 1, 2000, 128>}, {pipeline_mode = #tpu.pipeline_mode<synchronous>, transform_indices = @transform_3, window_bounds = array<i64: 128, 128>}, {pipeline_mode = #tpu.pipeline_mode<synchronous>, transform_indices = @transform_4, window_bounds = array<i64: 1, 128>}, {pipeline_mode = #tpu.pipeline_mode<synchronous>, transform_indices = @transform_5, window_bounds = array<i64: 128, 128>}, {pipeline_mode = #tpu.pipeline_mode<synchronous>, transform_indices = @transform_6, window_bounds = array<i64: 1, 128>}, {transform_indices = @transform_7, window_bounds = array<i64: 2000, 128>}]} {
    %get3A = arith.constant 0 : index
    %get3A_0 = arith.constant 0 : index
    %get3A_1 = vector.load %arg1[%get3A, %get3A_0] : memref<2000x128xf32, #tpu.memory_space<vmem>>, vector<2000x128xf32>
    %mul3A = arith.constant 1.100000e+00 : f32
    %mul3A_2 = vector.broadcast %mul3A : f32 to vector<2000x128xf32>
    %mul3A_3 = arith.mulf %mul3A_2, %get3A_1 : vector<2000x128xf32>
    %get3A_4 = arith.constant 0 : index
    %get3A_5 = arith.constant 0 : index
    %get3A_6 = arith.constant 0 : index
    %get3A_7 = vector.load %arg2[%get3A_4, %get3A_5, %get3A_6] : memref<1x2000x128xf32, #tpu.memory_space<vmem>>, vector<1x2000x128xf32>
    %get3A_8 = vector.shape_cast %get3A_7 : vector<1x2000x128xf32> to vector<2000x128xf32>
    %add3A = arith.addf %mul3A_3, %get3A_8 : vector<2000x128xf32>
    %get3A_9 = arith.constant 0 : index
    %get3A_10 = arith.constant 0 : index
    %get3A_11 = arith.constant 0 : index
    %get3A_12 = vector.load %arg3[%get3A_9, %get3A_10, %get3A_11] : memref<1x2000x128xf32, #tpu.memory_space<vmem>>, vector<1x2000x128xf32>
    %get3A_13 = vector.shape_cast %get3A_12 : vector<1x2000x128xf32> to vector<2000x128xf32>
    %add3A_14 = arith.addf %add3A, %get3A_13 : vector<2000x128xf32>
    %get3A_15 = arith.constant 0 : index
    %get3A_16 = arith.constant 0 : index
    %get3A_17 = vector.load %arg4[%get3A_15, %get3A_16] : memref<128x128xf32, #tpu.memory_space<vmem>>, vector<128x128xf32>
    %dot_general3A = arith.constant dense<0.000000e+00> : vector<2000x128xf32>
    %dot_general3A_18 = tpu.matmul %add3A_14, %get3A_17, %dot_general3A {dimension_numbers = #tpu.dot_dimension_numbers<[1], [0], [0], [1], [0, 0, 1, 1], [], []>, precision = #tpu.contract_precision<fp32>, transpose_lhs_hint = false} : vector<2000x128xf32>, vector<128x128xf32>, vector<2000x128xf32> -> vector<2000x128xf32>
    %get3A_19 = arith.constant 0 : index
    %get3A_20 = arith.constant 0 : index
    %get3A_21 = vector.load %arg5[%get3A_19, %get3A_20] : memref<1x128xf32, #tpu.memory_space<vmem>>, vector<1x128xf32>
    %add3A_22 = vector.broadcast %get3A_21 : vector<1x128xf32> to vector<2000x128xf32>
    %add3A_23 = arith.addf %dot_general3A_18, %add3A_22 : vector<2000x128xf32>
    %gt3A = arith.constant 0.000000e+00 : f32
    %gt3A_24 = vector.broadcast %gt3A : f32 to vector<2000x128xf32>
    %gt3A_25 = arith.cmpf ogt, %add3A_23, %gt3A_24 : vector<2000x128xf32>
    %mul3A_26 = arith.constant 0.00999999977 : f32
    %mul3A_27 = vector.broadcast %mul3A_26 : f32 to vector<2000x128xf32>
    %mul3A_28 = arith.mulf %mul3A_27, %add3A_23 : vector<2000x128xf32>
    %select_n3A = arith.select %gt3A_25, %add3A_23, %mul3A_28 : vector<2000x128xi1>, vector<2000x128xf32>
    %get3A_29 = arith.constant 0 : index
    %get3A_30 = arith.constant 0 : index
    %get3A_31 = vector.load %arg6[%get3A_29, %get3A_30] : memref<128x128xf32, #tpu.memory_space<vmem>>, vector<128x128xf32>
    %dot_general3A_32 = arith.constant dense<0.000000e+00> : vector<2000x128xf32>
    %dot_general3A_33 = tpu.matmul %select_n3A, %get3A_31, %dot_general3A_32 {dimension_numbers = #tpu.dot_dimension_numbers<[1], [0], [0], [1], [0, 0, 1, 1], [], []>, precision = #tpu.contract_precision<fp32>, transpose_lhs_hint = false} : vector<2000x128xf32>, vector<128x128xf32>, vector<2000x128xf32> -> vector<2000x128xf32>
    %get3A_34 = arith.constant 0 : index
    %get3A_35 = arith.constant 0 : index
    %get3A_36 = vector.load %arg7[%get3A_34, %get3A_35] : memref<1x128xf32, #tpu.memory_space<vmem>>, vector<1x128xf32>
    %add3A_37 = vector.broadcast %get3A_36 : vector<1x128xf32> to vector<2000x128xf32>
    %add3A_38 = arith.addf %dot_general3A_33, %add3A_37 : vector<2000x128xf32>
    %gt3A_39 = arith.constant 0.000000e+00 : f32
    %gt3A_40 = vector.broadcast %gt3A_39 : f32 to vector<2000x128xf32>
    %gt3A_41 = arith.cmpf ogt, %add3A_38, %gt3A_40 : vector<2000x128xf32>
    %mul3A_42 = arith.constant 0.00999999977 : f32
    %mul3A_43 = vector.broadcast %mul3A_42 : f32 to vector<2000x128xf32>
    %mul3A_44 = arith.mulf %mul3A_43, %add3A_38 : vector<2000x128xf32>
    %select_n3A_45 = arith.select %gt3A_41, %add3A_38, %mul3A_44 : vector<2000x128xi1>, vector<2000x128xf32>
    %gt3A_46 = arith.constant 0.000000e+00 : f32
    %gt3A_47 = vector.broadcast %gt3A_46 : f32 to vector<2000x128xf32>
    %gt3A_48 = arith.cmpf ogt, %select_n3A_45, %gt3A_47 : vector<2000x128xf32>
    %mul3A_49 = arith.constant 0.00999999977 : f32
    %mul3A_50 = vector.broadcast %mul3A_49 : f32 to vector<2000x128xf32>
    %mul3A_51 = arith.mulf %mul3A_50, %select_n3A_45 : vector<2000x128xf32>
    %select_n3A_52 = arith.select %gt3A_48, %select_n3A_45, %mul3A_51 : vector<2000x128xi1>, vector<2000x128xf32>
    %swap3A = arith.constant 0 : index
    %swap3A_53 = arith.constant 0 : index
    %swap3A_54 = vector.load %arg8[%swap3A, %swap3A_53] : memref<2000x128xf32, #tpu.memory_space<vmem>>, vector<2000x128xf32>
    tpu.vector_store %arg8[%swap3A, %swap3A_53], %select_n3A_52 {strides = array<i32>} : memref<2000x128xf32, #tpu.memory_space<vmem>>, vector<2000x128xf32>,
    return
  }
  func.func @transform_0(%arg0: i32) -> (i32, i32) {
    %c0_i32 = arith.constant 0 : i32
    %c0_i32_0 = arith.constant 0 : i32
    return %arg0, %c0_i32 : i32, i32
  }
  func.func @transform_1(%arg0: i32) -> (i32, i32, i32) {
    %c0_i32 = arith.constant 0 : i32
    %c0_i32_0 = arith.constant 0 : i32
    %c0_i32_1 = arith.constant 0 : i32
    return %c0_i32, %arg0, %c0_i32_0 : i32, i32, i32
  }
  func.func @transform_2(%arg0: i32) -> (i32, i32, i32) {
    %c1_i32 = arith.constant 1 : i32
    %c0_i32 = arith.constant 0 : i32
    %c0_i32_0 = arith.constant 0 : i32
    return %c1_i32, %arg0, %c0_i32 : i32, i32, i32
  }
  func.func @transform_3(%arg0: i32) -> (i32, i32) {
    %c0_i32 = arith.constant 0 : i32
    %c0_i32_0 = arith.constant 0 : i32
    %c0_i32_1 = arith.constant 0 : i32
    return %c0_i32, %c0_i32_0 : i32, i32
  }
  func.func @transform_4(%arg0: i32) -> (i32, i32) {
    %c0_i32 = arith.constant 0 : i32
    %c0_i32_0 = arith.constant 0 : i32
    %c0_i32_1 = arith.constant 0 : i32
    return %c0_i32, %c0_i32_0 : i32, i32
  }
  func.func @transform_5(%arg0: i32) -> (i32, i32) {
    %c0_i32 = arith.constant 0 : i32
    %c0_i32_0 = arith.constant 0 : i32
    %c0_i32_1 = arith.constant 0 : i32
    return %c0_i32, %c0_i32_0 : i32, i32
  }
  func.func @transform_6(%arg0: i32) -> (i32, i32) {
    %c0_i32 = arith.constant 0 : i32
    %c0_i32_0 = arith.constant 0 : i32
    %c0_i32_1 = arith.constant 0 : i32
    return %c0_i32, %c0_i32_0 : i32, i32
  }
  func.func @transform_7(%arg0: i32) -> (i32, i32) {
    %c0_i32 = arith.constant 0 : i32
    %c0_i32_0 = arith.constant 0 : i32
    return %arg0, %c0_i32 : i32, i32
  }
}

</mosaic_0001>

<sc_bundles>
// kernel: kernel.6.cloned.1.call-start
scs
__scs_entry_jumppad:
0x0: {  	(pc) =	sbr.rel $0x88, $3  }
0x1: {  	(tag) =	ssettag $0x0;
	lr =	simm.s32 $0x1  }
0x2: {  	[smem:$0x3F93] =	sst lr;
	_ =	strace $0xD0000000  }
0x3: {  	_ = 	snop  }
0x4: {  	_ = 	snop  }
0x5: {  	_ = 	snop  }
0x6: {  	_ = 	snop  }
0x7: {  	_ = 	snop  }
__scs_overlays_trampoline_lowered:
0x8: {  	[smem:$0x3FA2] =	sst s0  }
0x9: {  	[smem:$0x3FA3] =	sst s1  }
0xa: {  	[smem:$0x3FA4] =	sst s2  }
0xb: {  	[smem:$0x3FA5] =	sst s3  }
0xc: {  	[smem:$0x3FA6] =	sst s4  }
0xd: {  	[smem:$0x3FA7] =	sst s5  }
0xe: {  	[smem:$0x3FA8] =	sst s6  }
0xf: {  	[smem:$0x3FA9] =	sst s7  }
0x10: {  	[smem:$0x3FAA] =	sst s8  }
0x11: {  	[smem:$0x3FAB] =	sst s9;
	s0 =	simm.s32 @!p0 $0x0  }
0x12: {  	s1 =	sld [smem:$0x3F91];
	s0 =	simm.s32 @p0 $0x1  }
0x13: {  	[smem:$0x3FAC] =	sst s0;
	s0 =	simm.s32 @!p1 $0x0  }
0x14: {  	s2 =	sld [smem:$0x3F90];
	s0 =	simm.s32 @p1 $0x1  }
0x15: {  	[smem:$0x3FAD] =	sst s0;
	s0 =	simm.s32 @!p2 $0x0  }
0x16: {  	s3 =	sld [smem:$0x3FDB];
	s0 =	simm.s32 @p2 $0x1  }
0x17: {  	s4 =	simm.s32 $0x1BF5;
	[smem:$0x3FAF] =	sst s0  }
0x18: {  	s0 =	sld [smem:$0x3F92];
	_ =	swait.ge [sflag:s4], $0x0  }
0x19: {  	s7 =	sld [smem:$0x3F93]  }
0x1a: {  	s8 =	sadd.s32 $0xFFFFE003, lr  }
0x1b: {  	s9 =	sadd.s32 $0xFFFFFEF7, lr;
	s5 =	simm.s32 $0xFFFFFFFF;
	p2 =	slt.u32 s8, $0xFFFFF086  }
0x1c: {  	p1 =	slt.u32 s9, $0xF7A;
	s5 =	simm.s32 @!p2 $0x0  }
0x1d: {  	s5 =	simm.s32 @p1 $0x1;
	p0 =	seq.s32 s7, s2  }
0x1e: {  	s7 =	smul.u32 @!p0 $0xF7A, s2;
	p2 =	seq.s32 @!p0 s5, $0x0  }
0x1f: {  	s9 =	smul.u32 $0xF7A, s1;
	s8 =	simm.s32 @!p0 $0x1BF5;
	p2 =	por !p2, p0  }
0x20: {  	[sflag:s8] =	ssyncset.s32 @!p0 $0xFFFFF086;
	s6 =	sadd.s32 @!p0 s3, s7;
	s7 =	simm.s32 @!p0 $0x108  }
0x21: {  	s3 =	sadd.s32 s3, s9;
	s6 =	sadd.s32 @!p0 $0x88, s6;
	s7 =	simm.s32 @p2 $0x1082  }
0x22: {  	[simem:s7], [sflag:s8] =	dma.local @!p0 [hbm:s6], $0xF7A  }
0x23: {  	s9 =	sor.u32 $0xD0000000, s2;
	s6 =	simm.s32 $0x108;
	_ =	swait.ge @!p0 [sflag:s8], $0x0  }
0x24: {  	s3 =	sadd.s32 $0x88, s3;
	s6 =	simm.s32 @!p1 $0x1082;
	[sflag:s4] =	ssyncset.s32 $0xFFFFF086  }
0x25: {  	[simem:s6], [sflag:s4] =	dma.local [hbm:s3], $0xF7A  }
0x26: {  	[smem:$0x3F93] =	sst s1;
	(tag) =	ssettag s2;
	_ =	strace s9  }
0x27: {  	s1 =	sld [smem:$0x3FA3]  }
0x28: {  	s2 =	sld [smem:$0x3FA4]  }
0x29: {  	s4 =	sld [smem:$0x3FA6]  }
0x2a: {  	p0 =	seq.s32 s5, $0x0;
	s5 =	sld [smem:$0x3FA7]  }
0x2b: {  	s6 =	sld [smem:$0x3FA8]  }
0x2c: {  	s7 =	sld [smem:$0x3FA9]  }
0x2d: {  	s3 =	simm.s32 $0x108;
	s8 =	sld [smem:$0x3FAA]  }
0x2e: {  	s3 =	simm.s32 @!p0 $0x1082;
	s9 =	sld [smem:$0x3FAB]  }
0x2f: {  	lr =	sadd.s32 s0, s3;
	s0 =	sld [smem:$0x3FA2]  }
0x30: {  	s3 =	sld [smem:$0x3FA5]  }
0x31: {  	[smem:$0x3FAE] =	sst s10  }
0x32: {  	s10 =	sld [smem:$0x3FAC];
	_ =	sdelay $0x3  }
0x33: {  	p0 =	seq.s32 s10, $0x1;
	s10 =	sld [smem:$0x3FAE];
	_ =	sdelay $0x3  }
0x34: {  	[smem:$0x3FAE] =	sst s10  }
0x35: {  	s10 =	sld [smem:$0x3FAD];
	_ =	sdelay $0x3  }
0x36: {  	p1 =	seq.s32 s10, $0x1;
	s10 =	sld [smem:$0x3FAE];
	_ =	sdelay $0x3  }
0x37: {  	[smem:$0x3FAE] =	sst s10  }
0x38: {  	s10 =	sld [smem:$0x3FAF]  }
0x39: {  	_ = 	snop;
	(pc) =	sbr.ind lr, $3  }
0x3a: {  	_ = 	snop  }
0x3b: {  	_ = 	snop  }
0x3c: {  	p2 =	seq.s32 s10, $0x1;
	s10 =	sld [smem:$0x3FAE]  }
0x3d: {  	_ =	shalt  }
0x3e: {  	_ =	shalt  }
0x3f: {  	_ =	shalt  }
0x40: {  	_ =	shalt  }
0x41: {  	_ =	shalt  }
0x42: {  	_ =	shalt  }
0x43: {  	_ =	shalt  }
0x44: {  	_ =	shalt  }
0x45: {  	_ =	shalt  }
0x46: {  	_ =	shalt  }
0x47: {  	_ =	shalt  }
0x48: {  	_ =	shalt  }
0x49: {  	_ =	shalt  }
0x4a: {  	_ =	shalt  }
0x4b: {  	_ =	shalt  }
0x4c: {  	_ =	shalt  }
0x4d: {  	_ =	shalt  }
0x4e: {  	_ =	shalt  }
0x4f: {  	_ =	shalt  }
0x50: {  	_ =	shalt  }
0x51: {  	_ =	shalt  }
0x52: {  	_ =	shalt  }
0x53: {  	_ =	shalt  }
0x54: {  	_ =	shalt  }
0x55: {  	_ =	shalt  }
0x56: {  	_ =	shalt  }
0x57: {  	_ =	shalt  }
0x58: {  	_ =	shalt  }
0x59: {  	_ =	shalt  }
0x5a: {  	_ =	shalt  }
0x5b: {  	_ =	shalt  }
0x5c: {  	_ =	shalt  }
0x5d: {  	_ =	shalt  }
0x5e: {  	_ =	shalt  }
0x5f: {  	_ =	shalt  }
0x60: {  	_ =	shalt  }
0x61: {  	_ =	shalt  }
0x62: {  	_ =	shalt  }
0x63: {  	_ =	shalt  }
0x64: {  	_ =	shalt  }
0x65: {  	_ =	shalt  }
0x66: {  	_ =	shalt  }
0x67: {  	_ =	shalt  }
0x68: {  	_ =	shalt  }
0x69: {  	_ =	shalt  }
0x6a: {  	_ =	shalt  }
0x6b: {  	_ =	shalt  }
0x6c: {  	_ =	shalt  }
0x6d: {  	_ =	shalt  }
0x6e: {  	_ =	shalt  }
0x6f: {  	_ =	shalt  }
0x70: {  	_ =	shalt  }
0x71: {  	_ =	shalt  }
0x72: {  	_ =	shalt  }
0x73: {  	_ =	shalt  }
0x74: {  	_ =	shalt  }
0x75: {  	_ =	shalt  }
0x76: {  	_ =	shalt  }
0x77: {  	_ =	shalt  }
0x78: {  	_ =	shalt  }
0x79: {  	_ =	shalt  }
0x7a: {  	_ =	shalt  }
0x7b: {  	_ =	shalt  }
0x7c: {  	_ =	shalt  }
0x7d: {  	_ =	shalt  }
0x7e: {  	_ =	shalt  }
0x7f: {  	_ =	shalt  }
0x80: {  	_ =	shalt  }
0x81: {  	_ =	shalt  }
0x82: {  	_ =	shalt  }
0x83: {  	_ =	shalt  }
0x84: {  	_ =	shalt  }
0x85: {  	_ =	shalt  }
0x86: {  	_ =	shalt  }
0x87: {  	_ =	shalt  }
.Lfunc_end0:
.L_simem_size_0:
called_computation_lowered:
.L_overlay_start_0:
0x88: {  	s2 =	sld [smem:$0x3FD9]  }
0x89: {  	s3 =	sld [smem:$0x3FFE];
	_ =	sdelay $0x1  }
0x8a: {  	s1 =	srdreg.scid  }
0x8b: {  	s0 =	sand.u32 $0x1, s1  }
0x8c: {  	s17 =	sshll.u32 s0, $0xA;
	s2 =	sadd.s32 s3, s2  }
0x8d: {  	s2 =	sadd.s32 s2, s17  }
0x8e: {  	[smem:$0x3FBA] =	sst s2  }
0x8f: {  	_ = 	snop  }
0x90: {  	s2 =	sld [smem:$0x3FC9];
	(tm) =	ssettm $0x1  }
0x91: {  	s18 =	sld [smem:$0x3FFB];
	_ =	sdelay $0x3  }
0x92: {  	_ =	strace s18  }
0x93: {  	s3 =	sld [smem:$0x3FFC];
	_ =	sdelay $0x3  }
0x94: {  	_ =	strace s3  }
0x95: {  	s3 =	sld [smem:$0x3FFD];
	_ =	sdelay $0x3  }
0x96: {  	_ =	strace s3  }
0x97: {  	_ =	strace $0x8FFFFFFF  }
0x98: {  	s19 =	sld [smem:$0x3FDB];
	_ =	sdelay $0x1  }
0x99: {  	s4 =	simm.s32 $_scs_section_size  }
0x9a: {  	s5 =	simm.s32 $_size__tile_overlayer_lowered;
	s6 =	simm.s32 $_tile_overlayer_lowered  }
0x9b: {  	s22 =	simm.s32 $0x1BFF;
	s21 =	sshll.u32 s6, $0x1;
	s3 =	sadd.s32 s4, s19  }
0x9c: {  	s7 =	simm.s32 $0x0;
	s20 =	sshll.u32 s5, $0x1;
	s5 =	sadd.s32 s21, s3  }
0x9d: {  	[timem:s7], [sflag:s22] =	dma.local [hbm:s5], s20  }
0x9e: {  	_ =	swait.ge [sflag:s22], s20  }
0x9f: {  	s4 =	ssub.s32 $0x0, s20;
	[sflag:s22] =	ssyncset.done $0x0  }
0xa0: {  	[sflag:s22] =	ssyncadd.s32 s4;
	_ =	sdelay $0x1  }
0xa1: {  	s23 =	simm.s32 $0x1B8B  }
0xa2: {  	_ =	swait.ge [sflag:s23], $0x1  }
0xa3: {  	[sflag:s23] =	ssyncset.done $0x0  }
0xa4: {  	s25 =	simm.s32 $0x1B8E;
	s24 =	sld [smem:$0x3FFE];
	[sflag:s23] =	ssyncadd.s32 $0xFFFFFFFF  }
0xa5: {  	s26 =	simm.s32 $execute0_lowered;
	[smem:$0x3FD2] =	sst s25  }
0xa6: {  	s5 =	sshll.u32 s26, $0x1;
	_ =	strace $0x80000046;
	[dreg:$0x1] =	wrdreg $0xFFFFFFFF  }
0xa7: {  	s28 =	simm.s32 $_size_execute0_lowered;
	s3 =	sadd.s32 s3, s5;
	[dreg:$0x0] =	wrdreg $0x0  }
0xa8: {  	s5 =	sshll.u32 s28, $0x1;
	[dreg:$0x2] =	wrdreg s3  }
0xa9: {  	[dreg:$0x3] =	wrdreg s5  }
0xaa: {  	[dreg:$0x4] =	wrdreg $0xC0  }
0xab: {  	_ =	task [dreg:s7], $0x5FFFF  }
0xac: {  	[dreg:$0x1] =	wrdreg $0xFFFFFFFF  }
0xad: {  	[dreg:$0x0] =	wrdreg $0x60  }
0xae: {  	[dreg:$0x2] =	wrdreg s2  }
0xaf: {  	[dreg:$0x3] =	wrdreg s24  }
0xb0: {  	[dreg:$0x4] =	wrdreg $0xA8000  }
0xb1: {  	[dreg:$0x5] =	wrdreg $0x9  }
0xb2: {  	_ =	task.clear_ibuf [dreg:s7], $0x6FFFF;
	_ =	strace $0x90000046  }
0xb3: {  	s29 =	simm.s32 $0x9;
	_ =	strace $0x80000048  }
0xb4: {  	_ =	swait.ge [sflag:s29], $0x1  }
0xb5: {  	[sflag:s29] =	ssyncadd.s32 $0xFFFFFFFF  }
0xb6: {  	_ =	strace $0x90000048  }
0xb7: {  	_ =	sfence  }
0xb8: {  	s30 =	sld [smem:$0x0];
	_ =	sdelay $0x2  }
0xb9: {  	s31 =	sshll.u32 s1, $0xD;
	s1 =	sshrl.u32 s1, $0x2  }
0xba: {  	s3 =	sand.u32 $0x4000, s31;
	s1 =	sadd.s32 s1, s30  }
0xbb: {  	s0 =	sor.u32 s3, s0;
	s1 =	sshll.u32 s1, $0x11  }
0xbc: {  	s0 =	sor.u32 s1, s0  }
0xbd: {  	s0 =	sadd.s32 $0x8F2B, s0  }
0xbe: {  	[sflag:s0] =	ssyncadd.remote.s32 $0x1  }
0xbf: {  	_ =	sfence.sel $0xFFFF  }
0xc0: {  	[dreg:$0x0] =	wrdreg $0xFFFFFFFF;
	(pc) =	sbr.abs _section_cstart, $3  }
0xc1: {  	[dreg:$0x1] =	wrdreg $0xFFFFFFFF  }
0xc2: {  	_ =	task.clear_ibuf [dreg:s7], $0x2FFFF;
	_ =	strace $0x9FFFFFFF  }
0xc3: {  	(tm) =	ssettm $0x7FFFFFFF  }
tec
execute0_lowered:
.L_overlay_start_1:
0x0: {  	(tag) =	ssettag $0x1  }
0x1: {  	s1 =	rddreg [dreg:$0x0]  }
0x2: {  	s6 =	rddreg [dreg:$0x1]  }
0x3: {  	s3 =	rddreg [dreg:$0x2];
	s4 =	simm.s32 $0x0;
	s5 =	srdreg.scid  }
0x4: {  	s2 =	stileid.u32;
	s16 =	simm.s32 $0x1400;
	s17 =	simm.s32 $0x80  }
0x5: {  	s18 =	simm.s32 $0x2800;
	s19 =	simm.s32 $0x3;
	s20 =	simm.s32 $0x6800  }
0x6: {  	s21 =	simm.s32 $0x1;
	s22 =	simm.s32 $0x2;
	s23 =	simm.s32 $0x1380  }
0x7: {  	s24 =	simm.s32 $0x2700;
	[smem:$0x7FF] =	sst s4;
	s7 =	sand.u32 $0x1, s5  }
0x8: {  	s8 =	smul.u32 $0x2780, s2;
	s10 =	sadd.s32 $0x2800, s6;
	s11 =	sadd.s32 $0xC800, s6  }
0x9: {  	s5 =	sadd.s32 $0x16800, s6;
	s12 =	sshll.u32 s2, $0x1;
	s13 =	smul.u32 $0x4F000, s2  }
0xa: {  	s9 =	smul.u32 $0x27800, s7;
	s25 =	sshll.u32 s7, $0x5;
	s7 =	ssub.s32 $0x2, s7  }
0xb: {  	_ =	strace $0x80000047;
	s28 =	sshrl.u32 s7, $0x1;
	s30 =	sshrl.u32 s13, $0x2  }
0xc: {  	s8 =	sadd.s32 s8, s9;
	s9 =	sor.u32 s12, s25;
	s14 =	ssub.s32 s7, s28  }
0xd: {  	s15 =	sadd.s32 s30, s3;
	s25 =	simm.s32 $0x2780;
	s29 =	smul.u32 $0x1400, s9  }
0xe: {  	s26 =	sadd.s32 s8, s6;
	s9 =	smul.u32 $0x280, s9;
	s6 =	sshll.u32 s2, $0x6  }
0xf: {  	s7 =	sor.u32 $0x1C03, s6;
	s12 =	sadd.s32 $0x19000, s26;
	s31 =	sshrl.u32 s29, $0x3  }
0x10: {  	s26 =	simm.s32 $0x0;
	s8 =	sadd.s32 s10, s9;
	s13 =	sadd.s32 $0x280, s31  }
0x11: {  	s9 =	sadd.s32 s11, s9;
	s10 =	sadd.s32 s10, s13;
	s11 =	sadd.s32 s11, s13  }
0x12: {  	s13 =	smax.u32 s14, $0x1;
	s14 =	sshrl.u32 s15, $0x3;
	s15 =	simm.s32 $0x4  }
.LBB2_1:
0x13: {  	[spmem:s14], [sflag:s7] =	dma.local [hbm:s5], $0x2780  }
0x14: {  	[tilespmem:s4], [sflag:$0x4] =	stream.linear.gather [hbm4b:s8+s4], $0x1400, $0x38;
	[tilespmem:$0x1E400] =	vst v63  }
0x15: {  	_ =	swait.ge [sflag:s15], $0x1400  }
0x16: {  	[sflag:s15] =	ssyncset.done $0x0  }
0x17: {  	[sflag:s15] =	ssyncadd.s32 $0xFFFFEC00  }
0x18: {  	[tilespmem:s16], [sflag:$0x4] =	stream.linear.gather [hbm4b:s9+s4], $0x1400, $0x38;
	[tilespmem:$0x1E400] =	vst v63  }
0x19: {  	_ =	swait.ge [sflag:s15], $0x1400  }
0x1a: {  	[sflag:s15] =	ssyncset.done $0x0  }
0x1b: {  	[sflag:s15] =	ssyncadd.s32 $0xFFFFEC00  }
0x1c: {  	[tilespmem:s18], [sflag:$0x1] =	stream.indirect.gather [hbm4b:s1+s17], $0x80, s4, s17, $0xb8;
	[tilespmem:$0x1E400] =	vst v63  }
0x1d: {  	_ =	swait.ge [sflag:s19], $0x2780  }
0x1e: {  	[sflag:s19] =	ssyncset.done $0x0  }
0x1f: {  	[sflag:s19] =	ssyncadd.s32 $0xFFFFD880  }
0x20: {  	s28 =	simm.s32 $0x80;
	[bflag:$0x0] =	sbarrier.arrive $0xFFFF  }
0x21: {  	[tilespmem:s20], [sflag:$0x2] =	stream.indirect.gather [hbm4b:s1+s17], $0x80, s28, s17, $0xb8;
	[tilespmem:$0x1E400] =	vst v63  }
0x22: {  	_ =	swait.ge [sflag:s21], $0x4000  }
0x23: {  	[sflag:s21] =	ssyncset.done $0x0  }
0x24: {  	s28 =	simm.s32 $0x1400;
	[sflag:s21] =	ssyncadd.s32 $0xFFFFC000  }
0x25: {  	[spmem:s3] =	stream.indirect.scatter.add.f32 [tilespmem:s18], [sflag:$0x4], $0x80, s28, s17, $0xb8;
	[tilespmem:$0x1E400] =	vst v63  }
0x26: {  	_ =	swait.ge [sflag:s15], $0x4000  }
0x27: {  	[sflag:s15] =	ssyncset.done $0x0  }
0x28: {  	s28 =	simm.s32 $0x100;
	[sflag:s15] =	ssyncadd.s32 $0xFFFFC000  }
0x29: {  	[tilespmem:s18], [sflag:$0x1] =	stream.indirect.gather [hbm4b:s1+s17], $0x80, s28, s17, $0xb8;
	[tilespmem:$0x1E400] =	vst v63  }
0x2a: {  	_ =	swait.ge [sflag:s22], $0x4000  }
0x2b: {  	[sflag:s22] =	ssyncset.done $0x0  }
0x2c: {  	s28 =	simm.s32 $0x1480;
	[sflag:s22] =	ssyncadd.s32 $0xFFFFC000  }
0x2d: {  	[spmem:s3] =	stream.indirect.scatter.add.f32 [tilespmem:s20], [sflag:$0x4], $0x80, s28, s17, $0xb8;
	[tilespmem:$0x1E400] =	vst v63  }
0x2e: {  	_ =	swait.ge [sflag:s15], $0x4000  }
0x2f: {  	s29 =	simm.s32 $0x800;
	s28 =	simm.s32 $0x100;
	[sflag:s15] =	ssyncset.done $0x0  }
.LBB2_2:
0x30: {  	s30 =	sadd.s32 $0x80, s28  }
0x31: {  	[sflag:s15] =	ssyncadd.s32 $0xFFFFC000;
	s31 =	smov.u32 s29;
	s0 =	sadd.s32 $0x400, s29  }
0x32: {  	[tilespmem:s20], [sflag:$0x2] =	stream.indirect.gather [hbm4b:s1+s17], $0x80, s30, s17, $0xb8;
	[tilespmem:$0x1E400] =	vst v63  }
0x33: {  	p0 =	sne.s32 s29, $0x4800;
	_ =	swait.ge [sflag:s21], $0x4000  }
0x34: {  	[sflag:s21] =	ssyncset.done $0x0  }
0x35: {  	s29 =	sadd.s32 $0x1400, s28;
	[sflag:s21] =	ssyncadd.s32 $0xFFFFC000  }
0x36: {  	[spmem:s3] =	stream.indirect.scatter.add.f32 [tilespmem:s18], [sflag:$0x4], $0x80, s29, s17, $0xb8;
	[tilespmem:$0x1E400] =	vst v63  }
0x37: {  	_ =	swait.ge [sflag:s15], $0x4000  }
0x38: {  	[sflag:s15] =	ssyncset.done $0x0  }
0x39: {  	s29 =	sadd.s32 $0x100, s28;
	[sflag:s15] =	ssyncadd.s32 $0xFFFFC000  }
0x3a: {  	[tilespmem:s18], [sflag:$0x1] =	stream.indirect.gather [hbm4b:s1+s17], $0x80, s29, s17, $0xb8;
	[tilespmem:$0x1E400] =	vst v63  }
0x3b: {  	_ =	swait.ge [sflag:s22], $0x4000  }
.Ltmp0:
0x3c: {  	[sflag:s22] =	ssyncset.done $0x0;
	(pc) =	sbr.rel @p0 .LBB2_2-.Ltmp0, $4  }
0x3d: {  	s28 =	sadd.s32 $0x1480, s28;
	[sflag:s22] =	ssyncadd.s32 $0xFFFFC000  }
0x3e: {  	[spmem:s3] =	stream.indirect.scatter.add.f32 [tilespmem:s20], [sflag:$0x4], $0x80, s28, s17, $0xb8;
	[tilespmem:$0x1E400] =	vst v63  }
0x3f: {  	_ =	swait.ge [sflag:s15], $0x4000  }
0x40: {  	s29 =	smov.u32 s0;
	s28 =	sshra.s32 s31, $0x2;
	[sflag:s15] =	ssyncset.done $0x0  }
0x41: {  	s0 =	sadd.s32 $0x80, s28;
	[sflag:s15] =	ssyncadd.s32 $0xFFFFC000  }
0x42: {  	[tilespmem:s20], [sflag:$0x2] =	stream.indirect.gather [hbm4b:s1+s17], $0x80, s0, s17, $0xb8;
	[tilespmem:$0x1E400] =	vst v63  }
0x43: {  	_ =	swait.ge [sflag:s21], $0x4000  }
0x44: {  	[sflag:s21] =	ssyncset.done $0x0  }
0x45: {  	s30 =	sadd.s32 $0x1400, s28;
	[sflag:s21] =	ssyncadd.s32 $0xFFFFC000  }
0x46: {  	[spmem:s3] =	stream.indirect.scatter.add.f32 [tilespmem:s18], [sflag:$0x4], $0x80, s30, s17, $0xb8;
	[tilespmem:$0x1E400] =	vst v63  }
0x47: {  	_ =	swait.ge [sflag:s15], $0x4000  }
0x48: {  	[sflag:s15] =	ssyncset.done $0x0  }
0x49: {  	s31 =	sadd.s32 $0x100, s28;
	[sflag:s15] =	ssyncadd.s32 $0xFFFFC000  }
0x4a: {  	[tilespmem:s18], [sflag:$0x1] =	stream.indirect.gather [hbm4b:s1+s17], $0x80, s31, s17, $0xb8;
	[tilespmem:$0x1E400] =	vst v63  }
0x4b: {  	_ =	swait.ge [sflag:s22], $0x4000  }
0x4c: {  	[sflag:s22] =	ssyncset.done $0x0  }
0x4d: {  	s30 =	sadd.s32 $0x1480, s28;
	[sflag:s22] =	ssyncadd.s32 $0xFFFFC000  }
0x4e: {  	[spmem:s3] =	stream.indirect.scatter.add.f32 [tilespmem:s20], [sflag:$0x4], $0x80, s30, s17, $0xb8;
	[tilespmem:$0x1E400] =	vst v63  }
0x4f: {  	_ =	swait.ge [sflag:s15], $0x4000  }
0x50: {  	[sflag:s15] =	ssyncset.done $0x0  }
0x51: {  	[sflag:s15] =	ssyncadd.s32 $0xFFFFC000  }
0x52: {  	[tilespmem:s20], [sflag:$0x2] =	stream.indirect.gather [hbm4b:s1+s17], $0x80, s23, s17, $0xb8;
	[tilespmem:$0x1E400] =	vst v63  }
0x53: {  	_ =	swait.ge [sflag:s21], $0x4000  }
0x54: {  	[sflag:s21] =	ssyncset.done $0x0  }
0x55: {  	[sflag:s21] =	ssyncadd.s32 $0xFFFFC000  }
0x56: {  	[spmem:s3] =	stream.indirect.scatter.add.f32 [tilespmem:s18], [sflag:$0x4], $0x80, s24, s17, $0xb8;
	[tilespmem:$0x1E400] =	vst v63  }
0x57: {  	_ =	swait.ge [sflag:s15], $0x4000  }
0x58: {  	[sflag:s15] =	ssyncset.done $0x0  }
0x59: {  	[sflag:s15] =	ssyncadd.s32 $0xFFFFC000  }
0x5a: {  	_ =	swait.ge [sflag:s22], $0x4000  }
0x5b: {  	[sflag:s22] =	ssyncset.done $0x0  }
0x5c: {  	[sflag:s22] =	ssyncadd.s32 $0xFFFFC000  }
0x5d: {  	[spmem:s3] =	stream.indirect.scatter.add.f32 [tilespmem:s20], [sflag:$0x4], $0x80, s25, s17, $0xb8;
	[tilespmem:$0x1E400] =	vst v63  }
0x5e: {  	_ =	swait.ge [sflag:s15], $0x4000  }
0x5f: {  	[sflag:s15] =	ssyncset.done $0x0  }
0x60: {  	s31 =	simm.s32 $0x0;
	[sflag:s15] =	ssyncadd.s32 $0xFFFFC000  }
0x61: {  	[tilespmem:s31], [sflag:$0x4] =	stream.linear.gather [hbm4b:s10+s31], $0x1400, $0x38;
	[tilespmem:$0x1E400] =	vst v63  }
0x62: {  	_ =	swait.ge [sflag:s15], $0x1400  }
0x63: {  	[sflag:s15] =	ssyncset.done $0x0  }
0x64: {  	[sflag:s15] =	ssyncadd.s32 $0xFFFFEC00  }
0x65: {  	[tilespmem:s16], [sflag:$0x4] =	stream.linear.gather [hbm4b:s11+s31], $0x1400, $0x38;
	[tilespmem:$0x1E400] =	vst v63  }
0x66: {  	_ =	swait.ge [sflag:s15], $0x1400  }
0x67: {  	[sflag:s15] =	ssyncset.done $0x0  }
0x68: {  	[sflag:s15] =	ssyncadd.s32 $0xFFFFEC00  }
0x69: {  	[tilespmem:s18], [sflag:$0x1] =	stream.indirect.gather [hbm4b:s1+s17], $0x80, s31, s17, $0xb8;
	[tilespmem:$0x1E400] =	vst v63  }
0x6a: {  	s30 =	simm.s32 $0x80  }
0x6b: {  	[tilespmem:s20], [sflag:$0x2] =	stream.indirect.gather [hbm4b:s1+s17], $0x80, s30, s17, $0xb8;
	[tilespmem:$0x1E400] =	vst v63  }
0x6c: {  	_ =	swait.ge [sflag:s21], $0x4000  }
0x6d: {  	[sflag:s21] =	ssyncset.done $0x0  }
0x6e: {  	s31 =	simm.s32 $0x1400;
	[sflag:s21] =	ssyncadd.s32 $0xFFFFC000  }
0x6f: {  	[spmem:s3] =	stream.indirect.scatter.add.f32 [tilespmem:s18], [sflag:$0x4], $0x80, s31, s17, $0xb8;
	[tilespmem:$0x1E400] =	vst v63  }
0x70: {  	_ =	swait.ge [sflag:s15], $0x4000  }
0x71: {  	[sflag:s15] =	ssyncset.done $0x0  }
0x72: {  	s30 =	simm.s32 $0x100;
	[sflag:s15] =	ssyncadd.s32 $0xFFFFC000  }
0x73: {  	[tilespmem:s18], [sflag:$0x1] =	stream.indirect.gather [hbm4b:s1+s17], $0x80, s30, s17, $0xb8;
	[tilespmem:$0x1E400] =	vst v63  }
0x74: {  	_ =	swait.ge [sflag:s22], $0x4000  }
0x75: {  	[sflag:s22] =	ssyncset.done $0x0  }
0x76: {  	s31 =	simm.s32 $0x1480;
	[sflag:s22] =	ssyncadd.s32 $0xFFFFC000  }
0x77: {  	[spmem:s3] =	stream.indirect.scatter.add.f32 [tilespmem:s20], [sflag:$0x4], $0x80, s31, s17, $0xb8;
	[tilespmem:$0x1E400] =	vst v63  }
0x78: {  	_ =	swait.ge [sflag:s15], $0x4000  }
0x79: {  	s29 =	simm.s32 $0x800;
	s28 =	simm.s32 $0x100;
	[sflag:s15] =	ssyncset.done $0x0  }
.LBB2_4:
0x7a: {  	s0 =	sadd.s32 $0x80, s28  }
0x7b: {  	[sflag:s15] =	ssyncadd.s32 $0xFFFFC000;
	s30 =	smov.u32 s29;
	s31 =	sadd.s32 $0x400, s29  }
0x7c: {  	[tilespmem:s20], [sflag:$0x2] =	stream.indirect.gather [hbm4b:s1+s17], $0x80, s0, s17, $0xb8;
	[tilespmem:$0x1E400] =	vst v63  }
0x7d: {  	p0 =	sne.s32 s29, $0x4800;
	_ =	swait.ge [sflag:s21], $0x4000  }
0x7e: {  	[sflag:s21] =	ssyncset.done $0x0  }
0x7f: {  	s0 =	sadd.s32 $0x1400, s28;
	[sflag:s21] =	ssyncadd.s32 $0xFFFFC000  }
0x80: {  	[spmem:s3] =	stream.indirect.scatter.add.f32 [tilespmem:s18], [sflag:$0x4], $0x80, s0, s17, $0xb8;
	[tilespmem:$0x1E400] =	vst v63  }
0x81: {  	_ =	swait.ge [sflag:s15], $0x4000  }
0x82: {  	[sflag:s15] =	ssyncset.done $0x0  }
0x83: {  	s0 =	sadd.s32 $0x100, s28;
	[sflag:s15] =	ssyncadd.s32 $0xFFFFC000  }
0x84: {  	[tilespmem:s18], [sflag:$0x1] =	stream.indirect.gather [hbm4b:s1+s17], $0x80, s0, s17, $0xb8;
	[tilespmem:$0x1E400] =	vst v63  }
0x85: {  	_ =	swait.ge [sflag:s22], $0x4000  }
.Ltmp1:
0x86: {  	[sflag:s22] =	ssyncset.done $0x0;
	(pc) =	sbr.rel @p0 .LBB2_4-.Ltmp1, $4  }
0x87: {  	s0 =	sadd.s32 $0x1480, s28;
	[sflag:s22] =	ssyncadd.s32 $0xFFFFC000  }
0x88: {  	[spmem:s3] =	stream.indirect.scatter.add.f32 [tilespmem:s20], [sflag:$0x4], $0x80, s0, s17, $0xb8;
	[tilespmem:$0x1E400] =	vst v63  }
0x89: {  	_ =	swait.ge [sflag:s15], $0x4000  }
0x8a: {  	s29 =	smov.u32 s31;
	s28 =	sshra.s32 s30, $0x2;
	[sflag:s15] =	ssyncset.done $0x0  }
0x8b: {  	s0 =	sadd.s32 $0x80, s28;
	[sflag:s15] =	ssyncadd.s32 $0xFFFFC000  }
0x8c: {  	[tilespmem:s20], [sflag:$0x2] =	stream.indirect.gather [hbm4b:s1+s17], $0x80, s0, s17, $0xb8;
	[tilespmem:$0x1E400] =	vst v63  }
0x8d: {  	_ =	swait.ge [sflag:s21], $0x4000  }
0x8e: {  	[sflag:s21] =	ssyncset.done $0x0  }
0x8f: {  	s31 =	sadd.s32 $0x1400, s28;
	[sflag:s21] =	ssyncadd.s32 $0xFFFFC000  }
0x90: {  	[spmem:s3] =	stream.indirect.scatter.add.f32 [tilespmem:s18], [sflag:$0x4], $0x80, s31, s17, $0xb8;
	[tilespmem:$0x1E400] =	vst v63  }
0x91: {  	_ =	swait.ge [sflag:s15], $0x4000  }
0x92: {  	[sflag:s15] =	ssyncset.done $0x0  }
0x93: {  	s29 =	sadd.s32 $0x100, s28;
	[sflag:s15] =	ssyncadd.s32 $0xFFFFC000  }
0x94: {  	[tilespmem:s18], [sflag:$0x1] =	stream.indirect.gather [hbm4b:s1+s17], $0x80, s29, s17, $0xb8;
	[tilespmem:$0x1E400] =	vst v63  }
0x95: {  	_ =	swait.ge [sflag:s22], $0x4000  }
0x96: {  	[sflag:s22] =	ssyncset.done $0x0  }
0x97: {  	s30 =	sadd.s32 $0x1480, s28;
	[sflag:s22] =	ssyncadd.s32 $0xFFFFC000  }
0x98: {  	[spmem:s3] =	stream.indirect.scatter.add.f32 [tilespmem:s20], [sflag:$0x4], $0x80, s30, s17, $0xb8;
	[tilespmem:$0x1E400] =	vst v63  }
0x99: {  	_ =	swait.ge [sflag:s15], $0x4000  }
0x9a: {  	[sflag:s15] =	ssyncset.done $0x0  }
0x9b: {  	[sflag:s15] =	ssyncadd.s32 $0xFFFFC000  }
0x9c: {  	[tilespmem:s20], [sflag:$0x2] =	stream.indirect.gather [hbm4b:s1+s17], $0x80, s23, s17, $0xb8;
	[tilespmem:$0x1E400] =	vst v63  }
0x9d: {  	_ =	swait.ge [sflag:s21], $0x4000  }
0x9e: {  	[sflag:s21] =	ssyncset.done $0x0  }
0x9f: {  	[sflag:s21] =	ssyncadd.s32 $0xFFFFC000  }
0xa0: {  	[spmem:s3] =	stream.indirect.scatter.add.f32 [tilespmem:s18], [sflag:$0x4], $0x80, s24, s17, $0xb8;
	[tilespmem:$0x1E400] =	vst v63  }
0xa1: {  	_ =	swait.ge [sflag:s15], $0x4000  }
0xa2: {  	[sflag:s15] =	ssyncset.done $0x0  }
0xa3: {  	[sflag:s15] =	ssyncadd.s32 $0xFFFFC000  }
0xa4: {  	_ =	swait.ge [sflag:s22], $0x4000  }
0xa5: {  	[sflag:s22] =	ssyncset.done $0x0  }
0xa6: {  	[sflag:s22] =	ssyncadd.s32 $0xFFFFC000  }
0xa7: {  	[spmem:s3] =	stream.indirect.scatter.add.f32 [tilespmem:s20], [sflag:$0x4], $0x80, s25, s17, $0xb8;
	[tilespmem:$0x1E400] =	vst v63  }
0xa8: {  	_ =	swait.ge [sflag:s15], $0x4000  }
0xa9: {  	s26 =	sadd.s32 $0x1, s26;
	[sflag:s15] =	ssyncset.done $0x0  }
0xaa: {  	p0 =	sne.s32 s26, s13;
	[sflag:s15] =	ssyncadd.s32 $0xFFFFC000  }
.Ltmp2:
0xab: {  	s31 =	sor.u32 $0x1C04, s6;
	[bflag:$0x0] =	sbarrier.arrive $0xFFFF;
	(pc) =	sbr.rel @p0 .LBB2_1-.Ltmp2, $4  }
0xac: {  	[hbm:s12], [sflag:s31] =	dma.local [spmem:s14], $0x2780  }
0xad: {  	_ =	swait.ge [sflag:s15], $0x2780  }
0xae: {  	[sflag:s15] =	ssyncset.done $0x0  }
0xaf: {  	[sflag:s15] =	ssyncadd.s32 $0xFFFFD880  }
0xb0: {  	_ =	sfence.sel $0x180000  }
0xb1: {  	[bflag:$0x0] =	sbarrier.arrive $0xFFFF  }
0xb2: {  	_ =	strace $0x90000047  }
0xb3: {  	[bflag:$0x2] =	sbarrier.arrive $0xFFFF  }
0xb4: {  	p0 =	sne.s32 s2, $0x0;
	s0 =	rddreg [dreg:$0x3]  }
0xb5: {  	s0 =	sadd.s32 @!p0 $0x100000, s0  }
0xb6: {  	[sflag:s0] =	ssyncadd.tile.s32 @!p0 $0x1;
	_ =	shalt  }
.Lfunc_end2:
_tile_overlayer_lowered:
.L_overlay_start_2:
0xb7: {  	(tag) =	ssettag $0x2  }
0xb8: {  	s0 =	rddreg [dreg:$0x0];
	s2 =	stileid.u32  }
0xb9: {  	s1 =	rddreg [dreg:$0x1];
	p0 =	sne.s32 s2, $0x0  }
0xba: {  	s3 =	rddreg [dreg:$0x2];
	[bflag:$0x3] =	sbarrier.arrive $0xFFFF;
	s2 =	simm.s32 @!p0 $0x1C04  }
0xbb: {  	[timem:s3], [sflag:s2] =	dma.local @!p0 [hbm:s0], s1  }
0xbc: {  	s0 =	simm.s32 @!p0 $0x4  }
0xbd: {  	_ =	swait.ge @!p0 [sflag:s0], s1  }
0xbe: {  	s1 =	ssub.s32 @!p0 $0x0, s1;
	[sflag:s0] =	ssyncset.done @!p0 $0x0  }
0xbf: {  	[sflag:s0] =	ssyncadd.s32 @!p0 s1  }
0xc0: {  	[bflag:$0x3] =	sbarrier.arrive $0xFFFF  }
0xc1: {  	_ =	shalt  }

// kernel: kernel.9.cloned.1.call-start
scs
__scs_entry_jumppad:
0x0: {  	(pc) =	sbr.rel $0x88, $3  }
0x1: {  	(tag) =	ssettag $0x0;
	lr =	simm.s32 $0x1  }
0x2: {  	[smem:$0x3F93] =	sst lr;
	_ =	strace $0xD0000000  }
0x3: {  	_ = 	snop  }
0x4: {  	_ = 	snop  }
0x5: {  	_ = 	snop  }
0x6: {  	_ = 	snop  }
0x7: {  	_ = 	snop  }
__scs_overlays_trampoline_lowered:
0x8: {  	[smem:$0x3FA2] =	sst s0  }
0x9: {  	[smem:$0x3FA3] =	sst s1  }
0xa: {  	[smem:$0x3FA4] =	sst s2  }
0xb: {  	[smem:$0x3FA5] =	sst s3  }
0xc: {  	[smem:$0x3FA6] =	sst s4  }
0xd: {  	[smem:$0x3FA7] =	sst s5  }
0xe: {  	[smem:$0x3FA8] =	sst s6  }
0xf: {  	[smem:$0x3FA9] =	sst s7  }
0x10: {  	[smem:$0x3FAA] =	sst s8  }
0x11: {  	[smem:$0x3FAB] =	sst s9;
	s0 =	simm.s32 @!p0 $0x0  }
0x12: {  	s1 =	sld [smem:$0x3F91];
	s0 =	simm.s32 @p0 $0x1  }
0x13: {  	[smem:$0x3FAC] =	sst s0;
	s0 =	simm.s32 @!p1 $0x0  }
0x14: {  	s2 =	sld [smem:$0x3F90];
	s0 =	simm.s32 @p1 $0x1  }
0x15: {  	[smem:$0x3FAD] =	sst s0;
	s0 =	simm.s32 @!p2 $0x0  }
0x16: {  	s3 =	sld [smem:$0x3FDB];
	s0 =	simm.s32 @p2 $0x1  }
0x17: {  	s4 =	simm.s32 $0x1BF5;
	[smem:$0x3FAF] =	sst s0  }
0x18: {  	s0 =	sld [smem:$0x3F92];
	_ =	swait.ge [sflag:s4], $0x0  }
0x19: {  	s7 =	sld [smem:$0x3F93]  }
0x1a: {  	s8 =	sadd.s32 $0xFFFFE003, lr  }
0x1b: {  	s9 =	sadd.s32 $0xFFFFFEF7, lr;
	s5 =	simm.s32 $0xFFFFFFFF;
	p2 =	slt.u32 s8, $0xFFFFF086  }
0x1c: {  	p1 =	slt.u32 s9, $0xF7A;
	s5 =	simm.s32 @!p2 $0x0  }
0x1d: {  	s5 =	simm.s32 @p1 $0x1;
	p0 =	seq.s32 s7, s2  }
0x1e: {  	s7 =	smul.u32 @!p0 $0xF7A, s2;
	p2 =	seq.s32 @!p0 s5, $0x0  }
0x1f: {  	s9 =	smul.u32 $0xF7A, s1;
	s8 =	simm.s32 @!p0 $0x1BF5;
	p2 =	por !p2, p0  }
0x20: {  	[sflag:s8] =	ssyncset.s32 @!p0 $0xFFFFF086;
	s6 =	sadd.s32 @!p0 s3, s7;
	s7 =	simm.s32 @!p0 $0x108  }
0x21: {  	s3 =	sadd.s32 s3, s9;
	s6 =	sadd.s32 @!p0 $0x88, s6;
	s7 =	simm.s32 @p2 $0x1082  }
0x22: {  	[simem:s7], [sflag:s8] =	dma.local @!p0 [hbm:s6], $0xF7A  }
0x23: {  	s9 =	sor.u32 $0xD0000000, s2;
	s6 =	simm.s32 $0x108;
	_ =	swait.ge @!p0 [sflag:s8], $0x0  }
0x24: {  	s3 =	sadd.s32 $0x88, s3;
	s6 =	simm.s32 @!p1 $0x1082;
	[sflag:s4] =	ssyncset.s32 $0xFFFFF086  }
0x25: {  	[simem:s6], [sflag:s4] =	dma.local [hbm:s3], $0xF7A  }
0x26: {  	[smem:$0x3F93] =	sst s1;
	(tag) =	ssettag s2;
	_ =	strace s9  }
0x27: {  	s1 =	sld [smem:$0x3FA3]  }
0x28: {  	s2 =	sld [smem:$0x3FA4]  }
0x29: {  	s4 =	sld [smem:$0x3FA6]  }
0x2a: {  	p0 =	seq.s32 s5, $0x0;
	s5 =	sld [smem:$0x3FA7]  }
0x2b: {  	s6 =	sld [smem:$0x3FA8]  }
0x2c: {  	s7 =	sld [smem:$0x3FA9]  }
0x2d: {  	s3 =	simm.s32 $0x108;
	s8 =	sld [smem:$0x3FAA]  }
0x2e: {  	s3 =	simm.s32 @!p0 $0x1082;
	s9 =	sld [smem:$0x3FAB]  }
0x2f: {  	lr =	sadd.s32 s0, s3;
	s0 =	sld [smem:$0x3FA2]  }
0x30: {  	s3 =	sld [smem:$0x3FA5]  }
0x31: {  	[smem:$0x3FAE] =	sst s10  }
0x32: {  	s10 =	sld [smem:$0x3FAC];
	_ =	sdelay $0x3  }
0x33: {  	p0 =	seq.s32 s10, $0x1;
	s10 =	sld [smem:$0x3FAE];
	_ =	sdelay $0x3  }
0x34: {  	[smem:$0x3FAE] =	sst s10  }
0x35: {  	s10 =	sld [smem:$0x3FAD];
	_ =	sdelay $0x3  }
0x36: {  	p1 =	seq.s32 s10, $0x1;
	s10 =	sld [smem:$0x3FAE];
	_ =	sdelay $0x3  }
0x37: {  	[smem:$0x3FAE] =	sst s10  }
0x38: {  	s10 =	sld [smem:$0x3FAF]  }
0x39: {  	_ = 	snop;
	(pc) =	sbr.ind lr, $3  }
0x3a: {  	_ = 	snop  }
0x3b: {  	_ = 	snop  }
0x3c: {  	p2 =	seq.s32 s10, $0x1;
	s10 =	sld [smem:$0x3FAE]  }
0x3d: {  	_ =	shalt  }
0x3e: {  	_ =	shalt  }
0x3f: {  	_ =	shalt  }
0x40: {  	_ =	shalt  }
0x41: {  	_ =	shalt  }
0x42: {  	_ =	shalt  }
0x43: {  	_ =	shalt  }
0x44: {  	_ =	shalt  }
0x45: {  	_ =	shalt  }
0x46: {  	_ =	shalt  }
0x47: {  	_ =	shalt  }
0x48: {  	_ =	shalt  }
0x49: {  	_ =	shalt  }
0x4a: {  	_ =	shalt  }
0x4b: {  	_ =	shalt  }
0x4c: {  	_ =	shalt  }
0x4d: {  	_ =	shalt  }
0x4e: {  	_ =	shalt  }
0x4f: {  	_ =	shalt  }
0x50: {  	_ =	shalt  }
0x51: {  	_ =	shalt  }
0x52: {  	_ =	shalt  }
0x53: {  	_ =	shalt  }
0x54: {  	_ =	shalt  }
0x55: {  	_ =	shalt  }
0x56: {  	_ =	shalt  }
0x57: {  	_ =	shalt  }
0x58: {  	_ =	shalt  }
0x59: {  	_ =	shalt  }
0x5a: {  	_ =	shalt  }
0x5b: {  	_ =	shalt  }
0x5c: {  	_ =	shalt  }
0x5d: {  	_ =	shalt  }
0x5e: {  	_ =	shalt  }
0x5f: {  	_ =	shalt  }
0x60: {  	_ =	shalt  }
0x61: {  	_ =	shalt  }
0x62: {  	_ =	shalt  }
0x63: {  	_ =	shalt  }
0x64: {  	_ =	shalt  }
0x65: {  	_ =	shalt  }
0x66: {  	_ =	shalt  }
0x67: {  	_ =	shalt  }
0x68: {  	_ =	shalt  }
0x69: {  	_ =	shalt  }
0x6a: {  	_ =	shalt  }
0x6b: {  	_ =	shalt  }
0x6c: {  	_ =	shalt  }
0x6d: {  	_ =	shalt  }
0x6e: {  	_ =	shalt  }
0x6f: {  	_ =	shalt  }
0x70: {  	_ =	shalt  }
0x71: {  	_ =	shalt  }
0x72: {  	_ =	shalt  }
0x73: {  	_ =	shalt  }
0x74: {  	_ =	shalt  }
0x75: {  	_ =	shalt  }
0x76: {  	_ =	shalt  }
0x77: {  	_ =	shalt  }
0x78: {  	_ =	shalt  }
0x79: {  	_ =	shalt  }
0x7a: {  	_ =	shalt  }
0x7b: {  	_ =	shalt  }
0x7c: {  	_ =	shalt  }
0x7d: {  	_ =	shalt  }
0x7e: {  	_ =	shalt  }
0x7f: {  	_ =	shalt  }
0x80: {  	_ =	shalt  }
0x81: {  	_ =	shalt  }
0x82: {  	_ =	shalt  }
0x83: {  	_ =	shalt  }
0x84: {  	_ =	shalt  }
0x85: {  	_ =	shalt  }
0x86: {  	_ =	shalt  }
0x87: {  	_ =	shalt  }
.Lfunc_end0:
.L_simem_size_0:
called_computation.1_lowered:
.L_overlay_start_0:
0x88: {  	s2 =	sld [smem:$0x3FD9]  }
0x89: {  	s3 =	sld [smem:$0x3FFE];
	_ =	sdelay $0x1  }
0x8a: {  	s1 =	srdreg.scid  }
0x8b: {  	s0 =	sand.u32 $0x1, s1  }
0x8c: {  	s16 =	sshll.u32 s0, $0xA;
	s2 =	sadd.s32 s3, s2  }
0x8d: {  	s2 =	sadd.s32 s2, s16  }
0x8e: {  	[smem:$0x3FBA] =	sst s2  }
0x8f: {  	_ = 	snop  }
0x90: {  	(tm) =	ssettm $0x1  }
0x91: {  	s17 =	sld [smem:$0x3FFB];
	_ =	sdelay $0x3  }
0x92: {  	_ =	strace s17  }
0x93: {  	s2 =	sld [smem:$0x3FFC];
	_ =	sdelay $0x3  }
0x94: {  	_ =	strace s2  }
0x95: {  	s2 =	sld [smem:$0x3FFD];
	_ =	sdelay $0x3  }
0x96: {  	_ =	strace s2  }
0x97: {  	_ =	strace $0x8FFFFFFF  }
0x98: {  	s18 =	sld [smem:$0x3FDB];
	_ =	sdelay $0x1  }
0x99: {  	s19 =	simm.s32 $_scs_section_size  }
0x9a: {  	s4 =	simm.s32 $_size__tile_overlayer_lowered;
	s5 =	simm.s32 $_tile_overlayer_lowered  }
0x9b: {  	s22 =	simm.s32 $0x1BFF;
	s21 =	sshll.u32 s5, $0x1;
	s2 =	sadd.s32 s19, s18  }
0x9c: {  	s6 =	simm.s32 $0x0;
	s20 =	sshll.u32 s4, $0x1;
	s4 =	sadd.s32 s21, s2  }
0x9d: {  	[timem:s6], [sflag:s22] =	dma.local [hbm:s4], s20  }
0x9e: {  	_ =	swait.ge [sflag:s22], s20  }
0x9f: {  	s3 =	ssub.s32 $0x0, s20;
	[sflag:s22] =	ssyncset.done $0x0  }
0xa0: {  	[sflag:s22] =	ssyncadd.s32 s3;
	_ =	sdelay $0x1  }
0xa1: {  	s23 =	simm.s32 $0x1B8B  }
0xa2: {  	_ =	swait.ge [sflag:s23], $0x1  }
0xa3: {  	[sflag:s23] =	ssyncset.done $0x0  }
0xa4: {  	s25 =	simm.s32 $0x1B8E;
	s24 =	sld [smem:$0x3FFE];
	[sflag:s23] =	ssyncadd.s32 $0xFFFFFFFF  }
0xa5: {  	s26 =	simm.s32 $execute0_lowered;
	[smem:$0x3FD2] =	sst s25  }
0xa6: {  	s4 =	sshll.u32 s26, $0x1;
	_ =	strace $0x80000049;
	[dreg:$0x1] =	wrdreg $0xFFFFFFFF  }
0xa7: {  	s28 =	simm.s32 $_size_execute0_lowered;
	s2 =	sadd.s32 s2, s4;
	[dreg:$0x0] =	wrdreg $0x0  }
0xa8: {  	s4 =	sshll.u32 s28, $0x1;
	[dreg:$0x2] =	wrdreg s2  }
0xa9: {  	[dreg:$0x3] =	wrdreg s4  }
0xaa: {  	[dreg:$0x4] =	wrdreg $0xC0  }
0xab: {  	_ =	task [dreg:s6], $0x5FFFF  }
0xac: {  	[dreg:$0x1] =	wrdreg $0xFFFFFFFF  }
0xad: {  	[dreg:$0x0] =	wrdreg $0x60  }
0xae: {  	[dreg:$0x2] =	wrdreg s24  }
0xaf: {  	[dreg:$0x3] =	wrdreg $0xA8000  }
0xb0: {  	[dreg:$0x4] =	wrdreg $0x9  }
0xb1: {  	_ =	task.clear_ibuf [dreg:s6], $0x5FFFF;
	_ =	strace $0x90000049  }
0xb2: {  	s29 =	simm.s32 $0x9;
	_ =	strace $0x8000004B  }
0xb3: {  	_ =	swait.ge [sflag:s29], $0x1  }
0xb4: {  	[sflag:s29] =	ssyncadd.s32 $0xFFFFFFFF  }
0xb5: {  	_ =	strace $0x9000004B  }
0xb6: {  	_ =	sfence  }
0xb7: {  	s30 =	sld [smem:$0x0];
	_ =	sdelay $0x2  }
0xb8: {  	s31 =	sshll.u32 s1, $0xD;
	s1 =	sshrl.u32 s1, $0x2  }
0xb9: {  	s3 =	sand.u32 $0x4000, s31;
	s1 =	sadd.s32 s1, s30  }
0xba: {  	s0 =	sor.u32 s3, s0;
	s1 =	sshll.u32 s1, $0x11  }
0xbb: {  	s0 =	sor.u32 s1, s0  }
0xbc: {  	s0 =	sadd.s32 $0x8F2B, s0  }
0xbd: {  	[sflag:s0] =	ssyncadd.remote.s32 $0x1  }
0xbe: {  	_ =	sfence.sel $0xFFFF  }
0xbf: {  	[dreg:$0x0] =	wrdreg $0xFFFFFFFF;
	(pc) =	sbr.abs _section_cstart, $3  }
0xc0: {  	[dreg:$0x1] =	wrdreg $0xFFFFFFFF  }
0xc1: {  	_ =	task.clear_ibuf [dreg:s6], $0x2FFFF;
	_ =	strace $0x9FFFFFFF  }
0xc2: {  	(tm) =	ssettm $0x7FFFFFFF  }
0xc3: {  	_ =	shalt  }
tec
execute0_lowered:
.L_overlay_start_1:
0x0: {  	(tag) =	ssettag $0x1  }
0x1: {  	s6 =	rddreg [dreg:$0x0]  }
0x2: {  	s2 =	rddreg [dreg:$0x1]  }
0x3: {  	s3 =	simm.s32 $0x0;
	s4 =	srdreg.scid;
	s1 =	stileid.u32  }
0x4: {  	s16 =	simm.s32 $0x1400;
	s17 =	simm.s32 $0x80;
	s18 =	simm.s32 $0x2800  }
0x5: {  	s19 =	simm.s32 $0x3;
	s20 =	simm.s32 $0x6800;
	s21 =	simm.s32 $0x1  }
0x6: {  	s22 =	simm.s32 $0x2;
	s23 =	simm.s32 $0x1380;
	s24 =	simm.s32 $0x2700  }
0x7: {  	[smem:$0x7FF] =	sst s3;
	s7 =	sand.u32 $0x1, s4;
	s8 =	smul.u32 $0x2780, s1  }
0x8: {  	s4 =	sadd.s32 $0x19000, s6;
	s10 =	sadd.s32 $0x2800, s6;
	s11 =	sadd.s32 $0xC800, s6  }
0x9: {  	s5 =	sadd.s32 $0x16800, s6;
	s12 =	sshll.u32 s1, $0x1;
	s13 =	smul.u32 $0x4F000, s1  }
0xa: {  	s9 =	smul.u32 $0x27800, s7;
	s25 =	sshll.u32 s7, $0x5;
	s7 =	ssub.s32 $0x2, s7  }
0xb: {  	_ =	strace $0x8000004A;
	s28 =	sshrl.u32 s7, $0x1;
	s30 =	sshrl.u32 s13, $0x2  }
0xc: {  	s8 =	sadd.s32 s8, s9;
	s9 =	sor.u32 s12, s25;
	s14 =	ssub.s32 s7, s28  }
0xd: {  	s15 =	sadd.s32 s30, s2;
	s25 =	simm.s32 $0x2780;
	s29 =	smul.u32 $0x1400, s9  }
0xe: {  	s26 =	sadd.s32 s8, s6;
	s9 =	smul.u32 $0x280, s9;
	s6 =	sshll.u32 s1, $0x6  }
0xf: {  	s7 =	sor.u32 $0x1C03, s6;
	s12 =	sadd.s32 $0x40200, s26;
	s31 =	sshrl.u32 s29, $0x3  }
0x10: {  	s26 =	simm.s32 $0x0;
	s8 =	sadd.s32 s10, s9;
	s13 =	sadd.s32 $0x280, s31  }
0x11: {  	s9 =	sadd.s32 s11, s9;
	s10 =	sadd.s32 s10, s13;
	s11 =	sadd.s32 s11, s13  }
0x12: {  	s13 =	smax.u32 s14, $0x1;
	s14 =	sshrl.u32 s15, $0x3;
	s15 =	simm.s32 $0x4  }
.LBB2_1:
0x13: {  	[spmem:s14], [sflag:s7] =	dma.local [hbm:s5], $0x2780  }
0x14: {  	[tilespmem:s3], [sflag:$0x4] =	stream.linear.gather [hbm4b:s8+s3], $0x1400, $0x38;
	[tilespmem:$0x1E400] =	vst v63  }
0x15: {  	_ =	swait.ge [sflag:s15], $0x1400  }
0x16: {  	[sflag:s15] =	ssyncset.done $0x0  }
0x17: {  	[sflag:s15] =	ssyncadd.s32 $0xFFFFEC00  }
0x18: {  	[tilespmem:s16], [sflag:$0x4] =	stream.linear.gather [hbm4b:s9+s3], $0x1400, $0x38;
	[tilespmem:$0x1E400] =	vst v63  }
0x19: {  	_ =	swait.ge [sflag:s15], $0x1400  }
0x1a: {  	[sflag:s15] =	ssyncset.done $0x0  }
0x1b: {  	[sflag:s15] =	ssyncadd.s32 $0xFFFFEC00  }
0x1c: {  	[tilespmem:s18], [sflag:$0x1] =	stream.indirect.gather [hbm4b:s4+s17], $0x80, s3, s17, $0xb8;
	[tilespmem:$0x1E400] =	vst v63  }
0x1d: {  	_ =	swait.ge [sflag:s19], $0x2780  }
0x1e: {  	[sflag:s19] =	ssyncset.done $0x0  }
0x1f: {  	[sflag:s19] =	ssyncadd.s32 $0xFFFFD880  }
0x20: {  	s28 =	simm.s32 $0x80;
	[bflag:$0x0] =	sbarrier.arrive $0xFFFF  }
0x21: {  	[tilespmem:s20], [sflag:$0x2] =	stream.indirect.gather [hbm4b:s4+s17], $0x80, s28, s17, $0xb8;
	[tilespmem:$0x1E400] =	vst v63  }
0x22: {  	_ =	swait.ge [sflag:s21], $0x4000  }
0x23: {  	[sflag:s21] =	ssyncset.done $0x0  }
0x24: {  	s28 =	simm.s32 $0x1400;
	[sflag:s21] =	ssyncadd.s32 $0xFFFFC000  }
0x25: {  	[spmem:s2] =	stream.indirect.scatter.add.f32 [tilespmem:s18], [sflag:$0x4], $0x80, s28, s17, $0xb8;
	[tilespmem:$0x1E400] =	vst v63  }
0x26: {  	_ =	swait.ge [sflag:s15], $0x4000  }
0x27: {  	[sflag:s15] =	ssyncset.done $0x0  }
0x28: {  	s28 =	simm.s32 $0x100;
	[sflag:s15] =	ssyncadd.s32 $0xFFFFC000  }
0x29: {  	[tilespmem:s18], [sflag:$0x1] =	stream.indirect.gather [hbm4b:s4+s17], $0x80, s28, s17, $0xb8;
	[tilespmem:$0x1E400] =	vst v63  }
0x2a: {  	_ =	swait.ge [sflag:s22], $0x4000  }
0x2b: {  	[sflag:s22] =	ssyncset.done $0x0  }
0x2c: {  	s28 =	simm.s32 $0x1480;
	[sflag:s22] =	ssyncadd.s32 $0xFFFFC000  }
0x2d: {  	[spmem:s2] =	stream.indirect.scatter.add.f32 [tilespmem:s20], [sflag:$0x4], $0x80, s28, s17, $0xb8;
	[tilespmem:$0x1E400] =	vst v63  }
0x2e: {  	_ =	swait.ge [sflag:s15], $0x4000  }
0x2f: {  	s29 =	simm.s32 $0x800;
	s28 =	simm.s32 $0x100;
	[sflag:s15] =	ssyncset.done $0x0  }
.LBB2_2:
0x30: {  	s30 =	sadd.s32 $0x80, s28  }
0x31: {  	[sflag:s15] =	ssyncadd.s32 $0xFFFFC000;
	s31 =	smov.u32 s29;
	s0 =	sadd.s32 $0x400, s29  }
0x32: {  	[tilespmem:s20], [sflag:$0x2] =	stream.indirect.gather [hbm4b:s4+s17], $0x80, s30, s17, $0xb8;
	[tilespmem:$0x1E400] =	vst v63  }
0x33: {  	p0 =	sne.s32 s29, $0x4800;
	_ =	swait.ge [sflag:s21], $0x4000  }
0x34: {  	[sflag:s21] =	ssyncset.done $0x0  }
0x35: {  	s29 =	sadd.s32 $0x1400, s28;
	[sflag:s21] =	ssyncadd.s32 $0xFFFFC000  }
0x36: {  	[spmem:s2] =	stream.indirect.scatter.add.f32 [tilespmem:s18], [sflag:$0x4], $0x80, s29, s17, $0xb8;
	[tilespmem:$0x1E400] =	vst v63  }
0x37: {  	_ =	swait.ge [sflag:s15], $0x4000  }
0x38: {  	[sflag:s15] =	ssyncset.done $0x0  }
0x39: {  	s29 =	sadd.s32 $0x100, s28;
	[sflag:s15] =	ssyncadd.s32 $0xFFFFC000  }
0x3a: {  	[tilespmem:s18], [sflag:$0x1] =	stream.indirect.gather [hbm4b:s4+s17], $0x80, s29, s17, $0xb8;
	[tilespmem:$0x1E400] =	vst v63  }
0x3b: {  	_ =	swait.ge [sflag:s22], $0x4000  }
.Ltmp0:
0x3c: {  	[sflag:s22] =	ssyncset.done $0x0;
	(pc) =	sbr.rel @p0 .LBB2_2-.Ltmp0, $4  }
0x3d: {  	s28 =	sadd.s32 $0x1480, s28;
	[sflag:s22] =	ssyncadd.s32 $0xFFFFC000  }
0x3e: {  	[spmem:s2] =	stream.indirect.scatter.add.f32 [tilespmem:s20], [sflag:$0x4], $0x80, s28, s17, $0xb8;
	[tilespmem:$0x1E400] =	vst v63  }
0x3f: {  	_ =	swait.ge [sflag:s15], $0x4000  }
0x40: {  	s29 =	smov.u32 s0;
	s28 =	sshra.s32 s31, $0x2;
	[sflag:s15] =	ssyncset.done $0x0  }
0x41: {  	s0 =	sadd.s32 $0x80, s28;
	[sflag:s15] =	ssyncadd.s32 $0xFFFFC000  }
0x42: {  	[tilespmem:s20], [sflag:$0x2] =	stream.indirect.gather [hbm4b:s4+s17], $0x80, s0, s17, $0xb8;
	[tilespmem:$0x1E400] =	vst v63  }
0x43: {  	_ =	swait.ge [sflag:s21], $0x4000  }
0x44: {  	[sflag:s21] =	ssyncset.done $0x0  }
0x45: {  	s30 =	sadd.s32 $0x1400, s28;
	[sflag:s21] =	ssyncadd.s32 $0xFFFFC000  }
0x46: {  	[spmem:s2] =	stream.indirect.scatter.add.f32 [tilespmem:s18], [sflag:$0x4], $0x80, s30, s17, $0xb8;
	[tilespmem:$0x1E400] =	vst v63  }
0x47: {  	_ =	swait.ge [sflag:s15], $0x4000  }
0x48: {  	[sflag:s15] =	ssyncset.done $0x0  }
0x49: {  	s31 =	sadd.s32 $0x100, s28;
	[sflag:s15] =	ssyncadd.s32 $0xFFFFC000  }
0x4a: {  	[tilespmem:s18], [sflag:$0x1] =	stream.indirect.gather [hbm4b:s4+s17], $0x80, s31, s17, $0xb8;
	[tilespmem:$0x1E400] =	vst v63  }
0x4b: {  	_ =	swait.ge [sflag:s22], $0x4000  }
0x4c: {  	[sflag:s22] =	ssyncset.done $0x0  }
0x4d: {  	s30 =	sadd.s32 $0x1480, s28;
	[sflag:s22] =	ssyncadd.s32 $0xFFFFC000  }
0x4e: {  	[spmem:s2] =	stream.indirect.scatter.add.f32 [tilespmem:s20], [sflag:$0x4], $0x80, s30, s17, $0xb8;
	[tilespmem:$0x1E400] =	vst v63  }
0x4f: {  	_ =	swait.ge [sflag:s15], $0x4000  }
0x50: {  	[sflag:s15] =	ssyncset.done $0x0  }
0x51: {  	[sflag:s15] =	ssyncadd.s32 $0xFFFFC000  }
0x52: {  	[tilespmem:s20], [sflag:$0x2] =	stream.indirect.gather [hbm4b:s4+s17], $0x80, s23, s17, $0xb8;
	[tilespmem:$0x1E400] =	vst v63  }
0x53: {  	_ =	swait.ge [sflag:s21], $0x4000  }
0x54: {  	[sflag:s21] =	ssyncset.done $0x0  }
0x55: {  	[sflag:s21] =	ssyncadd.s32 $0xFFFFC000  }
0x56: {  	[spmem:s2] =	stream.indirect.scatter.add.f32 [tilespmem:s18], [sflag:$0x4], $0x80, s24, s17, $0xb8;
	[tilespmem:$0x1E400] =	vst v63  }
0x57: {  	_ =	swait.ge [sflag:s15], $0x4000  }
0x58: {  	[sflag:s15] =	ssyncset.done $0x0  }
0x59: {  	[sflag:s15] =	ssyncadd.s32 $0xFFFFC000  }
0x5a: {  	_ =	swait.ge [sflag:s22], $0x4000  }
0x5b: {  	[sflag:s22] =	ssyncset.done $0x0  }
0x5c: {  	[sflag:s22] =	ssyncadd.s32 $0xFFFFC000  }
0x5d: {  	[spmem:s2] =	stream.indirect.scatter.add.f32 [tilespmem:s20], [sflag:$0x4], $0x80, s25, s17, $0xb8;
	[tilespmem:$0x1E400] =	vst v63  }
0x5e: {  	_ =	swait.ge [sflag:s15], $0x4000  }
0x5f: {  	[sflag:s15] =	ssyncset.done $0x0  }
0x60: {  	s31 =	simm.s32 $0x0;
	[sflag:s15] =	ssyncadd.s32 $0xFFFFC000  }
0x61: {  	[tilespmem:s31], [sflag:$0x4] =	stream.linear.gather [hbm4b:s10+s31], $0x1400, $0x38;
	[tilespmem:$0x1E400] =	vst v63  }
0x62: {  	_ =	swait.ge [sflag:s15], $0x1400  }
0x63: {  	[sflag:s15] =	ssyncset.done $0x0  }
0x64: {  	[sflag:s15] =	ssyncadd.s32 $0xFFFFEC00  }
0x65: {  	[tilespmem:s16], [sflag:$0x4] =	stream.linear.gather [hbm4b:s11+s31], $0x1400, $0x38;
	[tilespmem:$0x1E400] =	vst v63  }
0x66: {  	_ =	swait.ge [sflag:s15], $0x1400  }
0x67: {  	[sflag:s15] =	ssyncset.done $0x0  }
0x68: {  	[sflag:s15] =	ssyncadd.s32 $0xFFFFEC00  }
0x69: {  	[tilespmem:s18], [sflag:$0x1] =	stream.indirect.gather [hbm4b:s4+s17], $0x80, s31, s17, $0xb8;
	[tilespmem:$0x1E400] =	vst v63  }
0x6a: {  	s30 =	simm.s32 $0x80  }
0x6b: {  	[tilespmem:s20], [sflag:$0x2] =	stream.indirect.gather [hbm4b:s4+s17], $0x80, s30, s17, $0xb8;
	[tilespmem:$0x1E400] =	vst v63  }
0x6c: {  	_ =	swait.ge [sflag:s21], $0x4000  }
0x6d: {  	[sflag:s21] =	ssyncset.done $0x0  }
0x6e: {  	s31 =	simm.s32 $0x1400;
	[sflag:s21] =	ssyncadd.s32 $0xFFFFC000  }
0x6f: {  	[spmem:s2] =	stream.indirect.scatter.add.f32 [tilespmem:s18], [sflag:$0x4], $0x80, s31, s17, $0xb8;
	[tilespmem:$0x1E400] =	vst v63  }
0x70: {  	_ =	swait.ge [sflag:s15], $0x4000  }
0x71: {  	[sflag:s15] =	ssyncset.done $0x0  }
0x72: {  	s30 =	simm.s32 $0x100;
	[sflag:s15] =	ssyncadd.s32 $0xFFFFC000  }
0x73: {  	[tilespmem:s18], [sflag:$0x1] =	stream.indirect.gather [hbm4b:s4+s17], $0x80, s30, s17, $0xb8;
	[tilespmem:$0x1E400] =	vst v63  }
0x74: {  	_ =	swait.ge [sflag:s22], $0x4000  }
0x75: {  	[sflag:s22] =	ssyncset.done $0x0  }
0x76: {  	s31 =	simm.s32 $0x1480;
	[sflag:s22] =	ssyncadd.s32 $0xFFFFC000  }
0x77: {  	[spmem:s2] =	stream.indirect.scatter.add.f32 [tilespmem:s20], [sflag:$0x4], $0x80, s31, s17, $0xb8;
	[tilespmem:$0x1E400] =	vst v63  }
0x78: {  	_ =	swait.ge [sflag:s15], $0x4000  }
0x79: {  	s29 =	simm.s32 $0x800;
	s28 =	simm.s32 $0x100;
	[sflag:s15] =	ssyncset.done $0x0  }
.LBB2_4:
0x7a: {  	s0 =	sadd.s32 $0x80, s28  }
0x7b: {  	[sflag:s15] =	ssyncadd.s32 $0xFFFFC000;
	s30 =	smov.u32 s29;
	s31 =	sadd.s32 $0x400, s29  }
0x7c: {  	[tilespmem:s20], [sflag:$0x2] =	stream.indirect.gather [hbm4b:s4+s17], $0x80, s0, s17, $0xb8;
	[tilespmem:$0x1E400] =	vst v63  }
0x7d: {  	p0 =	sne.s32 s29, $0x4800;
	_ =	swait.ge [sflag:s21], $0x4000  }
0x7e: {  	[sflag:s21] =	ssyncset.done $0x0  }
0x7f: {  	s0 =	sadd.s32 $0x1400, s28;
	[sflag:s21] =	ssyncadd.s32 $0xFFFFC000  }
0x80: {  	[spmem:s2] =	stream.indirect.scatter.add.f32 [tilespmem:s18], [sflag:$0x4], $0x80, s0, s17, $0xb8;
	[tilespmem:$0x1E400] =	vst v63  }
0x81: {  	_ =	swait.ge [sflag:s15], $0x4000  }
0x82: {  	[sflag:s15] =	ssyncset.done $0x0  }
0x83: {  	s0 =	sadd.s32 $0x100, s28;
	[sflag:s15] =	ssyncadd.s32 $0xFFFFC000  }
0x84: {  	[tilespmem:s18], [sflag:$0x1] =	stream.indirect.gather [hbm4b:s4+s17], $0x80, s0, s17, $0xb8;
	[tilespmem:$0x1E400] =	vst v63  }
0x85: {  	_ =	swait.ge [sflag:s22], $0x4000  }
.Ltmp1:
0x86: {  	[sflag:s22] =	ssyncset.done $0x0;
	(pc) =	sbr.rel @p0 .LBB2_4-.Ltmp1, $4  }
0x87: {  	s0 =	sadd.s32 $0x1480, s28;
	[sflag:s22] =	ssyncadd.s32 $0xFFFFC000  }
0x88: {  	[spmem:s2] =	stream.indirect.scatter.add.f32 [tilespmem:s20], [sflag:$0x4], $0x80, s0, s17, $0xb8;
	[tilespmem:$0x1E400] =	vst v63  }
0x89: {  	_ =	swait.ge [sflag:s15], $0x4000  }
0x8a: {  	s29 =	smov.u32 s31;
	s28 =	sshra.s32 s30, $0x2;
	[sflag:s15] =	ssyncset.done $0x0  }
0x8b: {  	s0 =	sadd.s32 $0x80, s28;
	[sflag:s15] =	ssyncadd.s32 $0xFFFFC000  }
0x8c: {  	[tilespmem:s20], [sflag:$0x2] =	stream.indirect.gather [hbm4b:s4+s17], $0x80, s0, s17, $0xb8;
	[tilespmem:$0x1E400] =	vst v63  }
0x8d: {  	_ =	swait.ge [sflag:s21], $0x4000  }
0x8e: {  	[sflag:s21] =	ssyncset.done $0x0  }
0x8f: {  	s31 =	sadd.s32 $0x1400, s28;
	[sflag:s21] =	ssyncadd.s32 $0xFFFFC000  }
0x90: {  	[spmem:s2] =	stream.indirect.scatter.add.f32 [tilespmem:s18], [sflag:$0x4], $0x80, s31, s17, $0xb8;
	[tilespmem:$0x1E400] =	vst v63  }
0x91: {  	_ =	swait.ge [sflag:s15], $0x4000  }
0x92: {  	[sflag:s15] =	ssyncset.done $0x0  }
0x93: {  	s29 =	sadd.s32 $0x100, s28;
	[sflag:s15] =	ssyncadd.s32 $0xFFFFC000  }
0x94: {  	[tilespmem:s18], [sflag:$0x1] =	stream.indirect.gather [hbm4b:s4+s17], $0x80, s29, s17, $0xb8;
	[tilespmem:$0x1E400] =	vst v63  }
0x95: {  	_ =	swait.ge [sflag:s22], $0x4000  }
0x96: {  	[sflag:s22] =	ssyncset.done $0x0  }
0x97: {  	s30 =	sadd.s32 $0x1480, s28;
	[sflag:s22] =	ssyncadd.s32 $0xFFFFC000  }
0x98: {  	[spmem:s2] =	stream.indirect.scatter.add.f32 [tilespmem:s20], [sflag:$0x4], $0x80, s30, s17, $0xb8;
	[tilespmem:$0x1E400] =	vst v63  }
0x99: {  	_ =	swait.ge [sflag:s15], $0x4000  }
0x9a: {  	[sflag:s15] =	ssyncset.done $0x0  }
0x9b: {  	[sflag:s15] =	ssyncadd.s32 $0xFFFFC000  }
0x9c: {  	[tilespmem:s20], [sflag:$0x2] =	stream.indirect.gather [hbm4b:s4+s17], $0x80, s23, s17, $0xb8;
	[tilespmem:$0x1E400] =	vst v63  }
0x9d: {  	_ =	swait.ge [sflag:s21], $0x4000  }
0x9e: {  	[sflag:s21] =	ssyncset.done $0x0  }
0x9f: {  	[sflag:s21] =	ssyncadd.s32 $0xFFFFC000  }
0xa0: {  	[spmem:s2] =	stream.indirect.scatter.add.f32 [tilespmem:s18], [sflag:$0x4], $0x80, s24, s17, $0xb8;
	[tilespmem:$0x1E400] =	vst v63  }
0xa1: {  	_ =	swait.ge [sflag:s15], $0x4000  }
0xa2: {  	[sflag:s15] =	ssyncset.done $0x0  }
0xa3: {  	[sflag:s15] =	ssyncadd.s32 $0xFFFFC000  }
0xa4: {  	_ =	swait.ge [sflag:s22], $0x4000  }
0xa5: {  	[sflag:s22] =	ssyncset.done $0x0  }
0xa6: {  	[sflag:s22] =	ssyncadd.s32 $0xFFFFC000  }
0xa7: {  	[spmem:s2] =	stream.indirect.scatter.add.f32 [tilespmem:s20], [sflag:$0x4], $0x80, s25, s17, $0xb8;
	[tilespmem:$0x1E400] =	vst v63  }
0xa8: {  	_ =	swait.ge [sflag:s15], $0x4000  }
0xa9: {  	s26 =	sadd.s32 $0x1, s26;
	[sflag:s15] =	ssyncset.done $0x0  }
0xaa: {  	p0 =	sne.s32 s26, s13;
	[sflag:s15] =	ssyncadd.s32 $0xFFFFC000  }
.Ltmp2:
0xab: {  	s31 =	sor.u32 $0x1C04, s6;
	[bflag:$0x0] =	sbarrier.arrive $0xFFFF;
	(pc) =	sbr.rel @p0 .LBB2_1-.Ltmp2, $4  }
0xac: {  	[hbm:s12], [sflag:s31] =	dma.local [spmem:s14], $0x2780  }
0xad: {  	_ =	swait.ge [sflag:s15], $0x2780  }
0xae: {  	[sflag:s15] =	ssyncset.done $0x0  }
0xaf: {  	[sflag:s15] =	ssyncadd.s32 $0xFFFFD880  }
0xb0: {  	_ =	sfence.sel $0x180000  }
0xb1: {  	[bflag:$0x0] =	sbarrier.arrive $0xFFFF  }
0xb2: {  	_ =	strace $0x9000004A  }
0xb3: {  	[bflag:$0x2] =	sbarrier.arrive $0xFFFF  }
0xb4: {  	p0 =	sne.s32 s1, $0x0;
	s0 =	rddreg [dreg:$0x2]  }
0xb5: {  	s0 =	sadd.s32 @!p0 $0x100000, s0  }
0xb6: {  	[sflag:s0] =	ssyncadd.tile.s32 @!p0 $0x1;
	_ =	shalt  }
.Lfunc_end2:
_tile_overlayer_lowered:
.L_overlay_start_2:
0xb7: {  	(tag) =	ssettag $0x2  }
0xb8: {  	s0 =	rddreg [dreg:$0x0];
	s2 =	stileid.u32  }
0xb9: {  	s1 =	rddreg [dreg:$0x1];
	p0 =	sne.s32 s2, $0x0  }
0xba: {  	s3 =	rddreg [dreg:$0x2];
	[bflag:$0x3] =	sbarrier.arrive $0xFFFF;
	s2 =	simm.s32 @!p0 $0x1C04  }
0xbb: {  	[timem:s3], [sflag:s2] =	dma.local @!p0 [hbm:s0], s1  }
0xbc: {  	s0 =	simm.s32 @!p0 $0x4  }
0xbd: {  	_ =	swait.ge @!p0 [sflag:s0], s1  }
0xbe: {  	s1 =	ssub.s32 @!p0 $0x0, s1;
	[sflag:s0] =	ssyncset.done @!p0 $0x0  }
0xbf: {  	[sflag:s0] =	ssyncadd.s32 @!p0 s1  }
0xc0: {  	[bflag:$0x3] =	sbarrier.arrive $0xFFFF  }
0xc1: {  	_ =	shalt  }

</sc_bundles>
